<compile_context>
chip_gen: v7x
topology: tpu7x:2x2x1
jax: 0.10.2.dev20260603
libtpu: 0.0.44.dev20260713+nightly
codegen_flags: <defaults>
</compile_context>

<pallas_src>
import numpy as np
import jax
import jax.numpy as jnp
from jax import lax
from jax.experimental import pallas as pl
from jax.experimental.pallas import tpu as pltpu
from jax.experimental.pallas import tpu_sc as plsc

_INNER_LIP = [78, 95, 88, 178, 87, 14, 317, 402, 318, 324, 308, 191, 80, 81, 82, 13, 312, 311, 310, 415]
_LEFT_HAND = list(range(468, 489))
_LEYE = [263, 249, 390, 373, 374, 380, 381, 382, 362, 466, 388, 387, 386, 385, 384, 398]
_OUTER_LIP = [61, 146, 91, 181, 84, 17, 314, 405, 321, 375, 291, 185, 40, 39, 37, 0, 267, 269, 270, 409]
_REYE = [33, 7, 163, 144, 145, 153, 154, 155, 133, 246, 161, 160, 159, 158, 157, 173]
_RIGHT_HAND = list(range(522, 543))
_SEL = np.array(_OUTER_LIP + _INNER_LIP + _LEFT_HAND + _RIGHT_HAND + _REYE + _LEYE, dtype=np.int32)

_T = 2048
_LM = 543
_NF = 114
_OUT = (48, 64)
_NO = sum(_OUT)
_NW = 32
_RPW = 4
_L = 16
_NBUF = _RPW


def _interp_tables():
    i0 = np.zeros((_NO,), dtype=np.int32)
    i1 = np.zeros((_NO,), dtype=np.int32)
    wv = np.zeros((_NO,), dtype=np.float32)
    col = 0
    for out_size in _OUT:
        pos = np.arange(out_size, dtype=np.float32) * np.float32(
            float(_T - 1) / float(out_size - 1))
        a = np.clip(np.floor(pos).astype(np.int32), 0, _T - 1)
        b = np.minimum(a + 1, _T - 1)
        i0[col:col + out_size] = a
        i1[col:col + out_size] = b
        wv[col:col + out_size] = (pos - a.astype(np.float32)).astype(np.float32)
        col += out_size
    return i0, i1, wv


def _build_sc_table():
    lpad = _NW * _RPW + _L
    ltab = np.zeros((lpad,), dtype=np.int32)
    ltab[:_NF] = _SEL
    i0, i1, wv = _interp_tables()
    return np.concatenate([ltab, i0, i1, wv.view(np.int32)]).astype(np.int32), lpad


_TAB, _LPAD = _build_sc_table()
_OI0 = _LPAD
_OI1 = _OI0 + _NO
_OW = _OI1 + _NO


def _build_tc_consts():
    sel = np.zeros((_NF, _LM), dtype=np.float32)
    for k, lm in enumerate(_SEL):
        sel[k, lm] = 1.0
    i0, i1, wv = _interp_tables()
    w = np.zeros((_T, _NO), dtype=np.float32)
    for t in range(_NO):
        w[i0[t], t] += np.float32(1.0) - wv[t]
        w[i1[t], t] += wv[t]
    return sel, w


_SEL_MAT, _W_MAT = _build_tc_consts()


def _sc_body(x_hbm, tab_hbm, f_hbm, p_hbm,
             tab_v, row_v, fbuf_v, acc_v, sem, osem):
    wid = lax.axis_index("s") * 2 + lax.axis_index("c")

    pltpu.sync_copy(tab_hbm, tab_v)

    base = wid * _RPW
    lvec = tab_v[pl.ds(base, _L)]
    lanes = lax.iota(jnp.int32, _L)
    zidx = jnp.zeros((_L,), jnp.int32)
    nrows = jnp.maximum(jnp.minimum(_NF - base, _RPW), 0)

    def _fetch(i):
        isel = jnp.maximum(jnp.minimum(i, nrows - 1), 0)
        lm_s = jnp.sum(jnp.where(lanes == isel, lvec, 0))
        pltpu.async_copy(
            x_hbm.at[pl.ds(2, 1), pl.ds(lm_s, 1), :], row_v.at[i], sem.at[i])

    for i in range(_NBUF):
        _fetch(i)

    def row_step(i, carry):
        a1, a2 = carry
        pltpu.make_async_copy(
            x_hbm.at[pl.ds(0, 1), pl.ds(0, 1), :], row_v.at[i],
            sem.at[i]).wait()

        def chunk(j, c2):
            t1, t2 = c2
            vs = [row_v[i, 0, 0, pl.ds(j * 128 + k * _L, _L)] for k in range(8)]
            s01 = (vs[0] + vs[1]) + (vs[2] + vs[3])
            s23 = (vs[4] + vs[5]) + (vs[6] + vs[7])
            q01 = (vs[0] * vs[0] + vs[1] * vs[1]) + (vs[2] * vs[2] + vs[3] * vs[3])
            q23 = (vs[4] * vs[4] + vs[5] * vs[5]) + (vs[6] * vs[6] + vs[7] * vs[7])
            return (t1 + (s01 + s23), t2 + (q01 + q23))

        zero = jnp.zeros((_L,), jnp.float32)
        t1, t2 = lax.fori_loop(0, _T // 128, chunk, (zero, zero))
        wgt = jnp.where(i < nrows, jnp.float32(1.0), jnp.float32(0.0))
        a1 = a1 + t1 * wgt
        a2 = a2 + t2 * wgt

        ivec = zidx + i

        def interp(o, _):
            r0 = plsc.load_gather(
                row_v, [ivec, zidx, zidx, tab_v[pl.ds(_OI0 + o * _L, _L)]])
            r1 = plsc.load_gather(
                row_v, [ivec, zidx, zidx, tab_v[pl.ds(_OI1 + o * _L, _L)]])
            w = plsc.bitcast(tab_v[pl.ds(_OW + o * _L, _L)], jnp.float32)
            fbuf_v[i, pl.ds(o * _L, _L)] = r0 * (1.0 - w) + r1 * w
            return 0

        lax.fori_loop(0, _NO // _L, interp, 0)
        off = (wid * _RPW + i) * 128
        pltpu.async_copy(fbuf_v.at[i], f_hbm.at[pl.ds(off, _NO)], osem)
        return (a1, a2)

    zero = jnp.zeros((_L,), jnp.float32)
    a1, a2 = lax.fori_loop(0, _RPW, row_step, (zero, zero))
    acc_v[pl.ds(0, _L)] = a1
    acc_v[pl.ds(_L, _L)] = a2
    pltpu.sync_copy(acc_v, p_hbm.at[pl.ds(wid * 2 * _L, 2 * _L)])
    for _ in range(_RPW):
        pltpu.make_async_copy(
            fbuf_v.at[0], f_hbm.at[pl.ds(0, _NO)], osem).wait()


def _tc_half_body(x_ref, sel_ref, w_ref, f_ref, p_ref, s_scr):
    c = pl.program_id(0)
    yc = jnp.dot(sel_ref[...], x_ref[0])
    s1 = jnp.sum(yc)
    s2 = jnp.sum(yc * yc)

    @pl.when(c == 0)
    def _():
        s_scr[0] = s1
        s_scr[1] = s2

    @pl.when(c == 1)
    def _():
        row = lax.broadcasted_iota(jnp.int32, (8, 128), 0)
        lane = lax.broadcasted_iota(jnp.int32, (8, 128), 1)
        t1 = s_scr[0] + s1
        t2 = s_scr[1] + s2
        p_ref[...] = jnp.where((row == 0) & (lane == 0), t1,
                               jnp.where((row == 0) & (lane == 1), t2, 0.0))

    f_ref[0] = jnp.dot(yc, w_ref[...])


def _tc_fin_body(f01_ref, fsc_ref, p01_ref, psc_ref, o_ref):
    psc = psc_ref[...]
    lane = lax.broadcasted_iota(jnp.int32, (8, 128), 1)
    s1 = jnp.sum(jnp.where(lane % 32 < 16, psc, 0.0)) + p01_ref[0, 0]
    s2 = jnp.sum(jnp.where(lane % 32 >= 16, psc, 0.0)) + p01_ref[0, 1]
    den = jnp.float32(_T * _NF * 3)
    mean = s1 / den
    std = jnp.sqrt(s2 / den - mean * mean)

    pieces = []
    for w in range((_NF + _RPW - 1) // _RPW):
        n = min(_NF - w * _RPW, _RPW)
        pieces.append(fsc_ref[w * _RPW:w * _RPW + n, :_NO])
    g2 = jnp.concatenate(pieces, axis=0)

    nul = None
    planes = [f01_ref[0], f01_ref[1], g2]
    for c in range(3):
        gc = (planes[c] - mean) / std
        o_ref[c] = gc
        if c == 0:
            nul = jnp.where(gc == 0.0, 1.0, 0.0)

    for c in range(3):
        gc = o_ref[c]
        col = 0
        for n in _OUT:
            f = gc[:, col:col + n]
            d = f[:, 1:] - f[:, :-1]
            zf = jnp.zeros((_NF, 1), jnp.float32)
            dp = jnp.concatenate([zf, d], axis=1)
            dn = jnp.concatenate([d, zf], axis=1)
            vl = (dp + dn) * 0.5
            iz = nul[:, col:col + n]
            mask = jnp.maximum(iz, jnp.maximum(
                jnp.concatenate([zf, iz[:, :-1]], axis=1),
                jnp.concatenate([iz[:, 1:], zf], axis=1))) > 0.0
            o_ref[3 + c, :, col:col + n] = jnp.where(mask, 0.0, dp)
            o_ref[6 + c, :, col:col + n] = jnp.where(mask, 0.0, dn)
            o_ref[9 + c, :, col:col + n] = jnp.where(mask, 0.0, vl)
            col += n


def kernel(x):
    xt = jnp.transpose(x, (2, 1, 0))

    mesh = plsc.VectorSubcoreMesh(core_axis_name="c", subcore_axis_name="s")
    sck = pl.kernel(
        _sc_body,
        out_type=(
            jax.ShapeDtypeStruct((_NW * _RPW * 128,), jnp.float32),
            jax.ShapeDtypeStruct((_NW * 2 * _L,), jnp.float32),
        ),
        mesh=mesh,
        scratch_types=[
            pltpu.VMEM(_TAB.shape, jnp.int32),
            pltpu.VMEM((_NBUF, 1, 1, _T), jnp.float32),
            pltpu.VMEM((_RPW, _NO), jnp.float32),
            pltpu.VMEM((2 * _L,), jnp.float32),
            pltpu.SemaphoreType.DMA((_NBUF,)),
            pltpu.SemaphoreType.DMA,
        ],
        compiler_params=pltpu.CompilerParams(
            use_tc_tiling_on_sc=True, needs_layout_passes=False),
    )
    fsc_flat, psc_flat = sck(xt, jnp.asarray(_TAB))

    f01, p01 = pl.pallas_call(
        _tc_half_body,
        grid=(2,),
        in_specs=[
            pl.BlockSpec((1, _LM, _T), lambda c: (c, 0, 0)),
            pl.BlockSpec((_NF, _LM), lambda c: (0, 0)),
            pl.BlockSpec((_T, _NO), lambda c: (0, 0)),
        ],
        out_specs=(
            pl.BlockSpec((1, _NF, _NO), lambda c: (c, 0, 0)),
            pl.BlockSpec((8, 128), lambda c: (0, 0)),
        ),
        out_shape=(
            jax.ShapeDtypeStruct((2, _NF, _NO), jnp.float32),
            jax.ShapeDtypeStruct((8, 128), jnp.float32),
        ),
        scratch_shapes=[pltpu.SMEM((2,), jnp.float32)],
    )(xt, jnp.asarray(_SEL_MAT), jnp.asarray(_W_MAT))

    fsc2d = fsc_flat.reshape(_NW * _RPW, 128)
    psc2d = psc_flat.reshape(8, 128)

    o12 = pl.pallas_call(
        _tc_fin_body,
        out_shape=jax.ShapeDtypeStruct((12, _NF, _NO), jnp.float32),
    )(f01, fsc2d, p01, psc2d)

    t = jnp.transpose(o12, (2, 1, 0))
    n48 = _OUT[0]
    f48 = t[:n48, :, 0:3][None]
    m48 = t[:n48, :, 3:12][None]
    f64 = t[n48:, :, 0:3][None]
    m64 = t[n48:, :, 3:12][None]
    return (f48, m48, f64, m64)

# --- scband reference (transcript-rebuilt; emitter-appended) ---
"""Pipeline reference for scband-preprocess-motion-eye-79620103733750 (READ-ONLY COPY).

The authoritative reference and input builder live on the scoring server;
editing this copy changes nothing except your own understanding.
"""

import jax, jax.numpy as jnp
import numpy as np

INNER_LIP_INDICES = [78, 95, 88, 178, 87, 14, 317, 402, 318, 324, 308, 191, 80, 81, 82, 13, 312, 311, 310, 415]
LEFT_HAND_INDICES = list(range(468, 489))
LEYE_INDICES = [263, 249, 390, 373, 374, 380, 381, 382, 362, 466, 388, 387, 386, 385, 384, 398]
OUTER_LIP_INDICES = [61, 146, 91, 181, 84, 17, 314, 405, 321, 375, 291, 185, 40, 39, 37, 0, 267, 269, 270, 409]
REYE_INDICES = [33, 7, 163, 144, 145, 153, 154, 155, 133, 246, 161, 160, 159, 158, 157, 173]
RIGHT_HAND_INDICES = list(range(522, 543))
EYE_INDICES = OUTER_LIP_INDICES + INNER_LIP_INDICES + LEFT_HAND_INDICES + RIGHT_HAND_INDICES + REYE_INDICES + LEYE_INDICES
NUM_FEATURES = len(EYE_INDICES)  # 114


def _nan_mean(x):
    num = jnp.sum(jnp.where(jnp.isnan(x), jnp.zeros_like(x), x))
    den = jnp.sum(jnp.where(jnp.isnan(x), jnp.zeros_like(x), jnp.ones_like(x)))
    return num / den


def _nan_std(x):
    return jnp.sqrt(_nan_mean(x * x))


def _fillna(x):
    return jnp.where(jnp.isnan(x), jnp.zeros_like(x), x)


def _interp_axis(arr, axis, out_size):
    in_size = arr.shape[axis]
    if out_size == 1 or in_size == 1:
        idx = jnp.zeros((out_size,), dtype=jnp.int32)
        return jnp.take(arr, idx, axis=axis)
    pos = jnp.arange(out_size, dtype=jnp.float32) * (float(in_size - 1) / float(out_size - 1))
    i0 = jnp.clip(jnp.floor(pos).astype(jnp.int32), 0, in_size - 1)
    i1 = jnp.minimum(i0 + 1, in_size - 1)
    w = pos - i0.astype(jnp.float32)
    shape = [1] * arr.ndim
    shape[axis] = out_size
    w = w.reshape(shape)
    a0 = jnp.take(arr, i0, axis=axis)
    a1 = jnp.take(arr, i1, axis=axis)
    return a0 * (1.0 - w) + a1 * w


def _resize_bilinear_align_corners(x, out_h, out_w):
    # tf.compat.v1.image.resize(..., BILINEAR, align_corners=True) on [H, W, C]
    x = _interp_axis(x, 0, out_h)
    x = _interp_axis(x, 1, out_w)
    return x


def _preprocess(x):
    features = x.reshape(-1, NUM_FEATURES, 3)
    prev_pad = jnp.pad(features, ((1, 0), (0, 0), (0, 0)), mode='symmetric')[:-1, :, :]
    next_pad = jnp.pad(features, ((0, 1), (0, 0), (0, 0)), mode='symmetric')[1:, :, :]
    diff_prev = features - prev_pad
    diff_next = next_pad - features
    velocity = (diff_prev + diff_next) / 2.0
    motion = jnp.concatenate([diff_prev, diff_next, velocity], axis=2)
    motion = jnp.where(jnp.isnan(motion), jnp.zeros_like(motion), motion)
    is_null = (features[..., 0] == 0).astype(jnp.int32)
    prev_is_null = jnp.pad(is_null, ((1, 0), (0, 0)))[:-1, :]
    next_is_null = jnp.pad(is_null, ((0, 1), (0, 0)))[1:, :]
    nul = is_null.astype(bool) | prev_is_null.astype(bool) | next_is_null.astype(bool)
    nul = jnp.tile(nul[..., None], (1, 1, 9))
    motion = jnp.where(nul, jnp.zeros_like(motion), motion)
    return features[None, ...], motion[None, ...]


def _forward(x):
    x = jnp.take(x, jnp.asarray(EYE_INDICES, dtype=jnp.int32), axis=1)
    x = x - _nan_mean(x)
    x = x / _nan_std(x)
    x = _fillna(x)
    # T = 2048 > max_length64 = 64, so both resize branches are taken
    x48 = _resize_bilinear_align_corners(x, 48, NUM_FEATURES)
    x64 = _resize_bilinear_align_corners(x, 64, NUM_FEATURES)
    f48, m48 = _preprocess(x48)
    f64, m64 = _preprocess(x64)
    return (f48, m48, f64, m64)


def setup_inputs(seed: int = 0):
    key = jax.random.key(seed)
    x = jax.random.normal(key, (2048, 543, 3), dtype=jnp.float32)
    return {"x": x}


def reference(x):
    return _forward(x)

if __name__ == "__main__":
    import jax
    _d = setup_inputs()
    print(jax.jit(kernel)(*tuple(_d.values())))

</pallas_src>

<mosaic_0001>
#map = affine_map<(d0, d1) -> (0, 0, 0)>
#map1 = affine_map<(d0, d1) -> (0)>
module attributes {stable_mosaic.version = 14 : i64} {
  func.func @_sc_body(%arg0: i32, %arg1: i32, %arg2: memref<3x543x2048xf32, #tpu.memory_space<hbm>>, %arg3: memref<480xi32, #tpu.memory_space<hbm>>, %arg4: memref<16384xf32, #tpu.memory_space<hbm>>, %arg5: memref<1024xf32, #tpu.memory_space<hbm>>, %arg6: memref<480xi32, #tpu.memory_space<vmem>>, %arg7: memref<4x1x1x2048xf32, #tpu.memory_space<vmem>>, %arg8: memref<4x112xf32, #tpu.memory_space<vmem>>, %arg9: memref<32xf32, #tpu.memory_space<vmem>>, %arg10: memref<4x!tpu.dma_semaphore, #tpu.memory_space<semaphore_mem>>, %arg11: memref<!tpu.dma_semaphore, #tpu.memory_space<semaphore_mem>>) attributes {dimension_semantics = [#tpu.dimension_semantics<core_parallel>, #tpu.dimension_semantics<subcore_parallel>], iteration_bounds = array<i64: 2, 16>, scalar_prefetch = 0 : i64, scratch_operands = 6 : i64, tpu.core_type = #tpu.core_type<sc_vector_subcore>, window_params = [{transform_indices = #map}, {transform_indices = #map1}, {transform_indices = #map1}, {transform_indices = #map1}]} {
    %mul3A = arith.constant 2 : i32
    %mul3A_0 = arith.muli %arg1, %mul3A : i32
    %add3A = arith.addi %mul3A_0, %arg0 : i32
    "tpu.region"() ({
      %run_scoped3A = tpu.sem_alloc : memref<!tpu.dma_semaphore, #tpu.memory_space<semaphore_mem>>
      tpu.enqueue_dma source(%arg3 : memref<480xi32, #tpu.memory_space<hbm>>) target(%arg6 : memref<480xi32, #tpu.memory_space<vmem>>) target_semaphore(%run_scoped3A : memref<!tpu.dma_semaphore, #tpu.memory_space<semaphore_mem>>)
      tpu.wait_dma2 semaphore(%run_scoped3A : memref<!tpu.dma_semaphore, #tpu.memory_space<semaphore_mem>>) src(%arg3 : memref<480xi32, #tpu.memory_space<hbm>>) dst(%arg6 : memref<480xi32, #tpu.memory_space<vmem>>)
      tpu.yield
    }) : () -> ()
    %mul3A_1 = arith.constant 4 : i32
    %mul3A_2 = arith.muli %add3A, %mul3A_1 : i32
    %get3A = arith.index_cast %mul3A_2 : i32 to index
    %get3A_3 = tpu.vector_load %arg6[%get3A] {strides = array<i32>} : memref<480xi32, #tpu.memory_space<vmem>>, vector<16xi32>,
    %iota3A = tpu.iota {dimensions = array<i32: 0>} : vector<16xi32>
    %broadcast_in_dim3A = arith.constant 0 : i32
    %broadcast_in_dim3A_4 = vector.broadcast %broadcast_in_dim3A : i32 to vector<16xi32>
    %sub3A = arith.constant 114 : i32
    %sub3A_5 = arith.subi %sub3A, %mul3A_2 : i32
    %min3A = arith.constant 4 : i32
    %min3A_6 = arith.minsi %sub3A_5, %min3A : i32
    %max3A = arith.constant 0 : i32
    %max3A_7 = arith.maxsi %min3A_6, %max3A : i32
    %sub3A_8 = arith.constant 1 : i32
    %sub3A_9 = arith.subi %max3A_7, %sub3A_8 : i32
    %min3A_10 = arith.constant 0 : i32
    %min3A_11 = arith.minsi %min3A_10, %sub3A_9 : i32
    %max3A_12 = arith.constant 0 : i32
    %max3A_13 = arith.maxsi %min3A_11, %max3A_12 : i32
    %eq3A = vector.broadcast %max3A_13 : i32 to vector<16xi32>
    %eq3A_14 = arith.cmpi eq, %iota3A, %eq3A : vector<16xi32>
    %jit3A = arith.constant 0 : i32
    %broadcast_in_dim3A_15 = vector.broadcast %jit3A : i32 to vector<16xi32>
    %select_n3A = arith.select %eq3A_14, %get3A_3, %broadcast_in_dim3A_15 : vector<16xi1>, vector<16xi32>
    %reduce_sum3A = arith.constant true
    %reduce_sum3A_16 = vector.broadcast %reduce_sum3A : i1 to vector<16xi1>
    %reduce_sum3A_17 = tpu.scan <sum>, %select_n3A masked %reduce_sum3A_16 : vector<16xi32>, vector<16xi1> -> vector<16xi32>
    %reduce_sum3A_18 = vector.extract %reduce_sum3A_17[15] : i32 from vector<16xi32>
    %dma_start3A = arith.constant 0 : i32
    %dma_start3A_19 = arith.constant 0 : i32
    %dma_start3A_20 = arith.constant 0 : i32
    %dma_start3A_21 = arith.constant 0 : i32
    %dma_start3A_22 = arith.constant 0 : i32
    %dma_start3A_23 = tpu.memref_slice %arg7[%dma_start3A, %dma_start3A_20, %dma_start3A_21, %dma_start3A_22] : memref<4x1x1x2048xf32, #tpu.memory_space<vmem>> -> memref<1x1x1x2048xf32, #tpu.memory_space<vmem>>
    %dma_start3A_24 = tpu.memref_squeeze %dma_start3A_23 : memref<1x1x1x2048xf32, #tpu.memory_space<vmem>> -> memref<1x1x2048xf32, #tpu.memory_space<vmem>>
    %dma_start3A_25 = arith.constant 2 : i32
    %dma_start3A_26 = arith.constant 0 : i32
    %dma_start3A_27 = tpu.memref_slice %arg2[%dma_start3A_25, %reduce_sum3A_18, %dma_start3A_26] : memref<3x543x2048xf32, #tpu.memory_space<hbm>> -> memref<1x1x2048xf32, #tpu.memory_space<hbm>>
    %dma_start3A_28 = tpu.memref_slice %arg10[%dma_start3A_19] : memref<4x!tpu.dma_semaphore, #tpu.memory_space<semaphore_mem>> -> memref<1x!tpu.dma_semaphore, #tpu.memory_space<semaphore_mem>>
    %dma_start3A_29 = tpu.memref_squeeze %dma_start3A_28 : memref<1x!tpu.dma_semaphore, #tpu.memory_space<semaphore_mem>> -> memref<!tpu.dma_semaphore, #tpu.memory_space<semaphore_mem>>
    %dma_start3A_30 = arith.constant 0 : i32
    %dma_start3A_31 = arith.constant 0 : i32
    %dma_start3A_32 = arith.constant 0 : i32
    %dma_start3A_33 = tpu.memref_slice %arg7[%dma_start3A, %dma_start3A_30, %dma_start3A_31, %dma_start3A_32] : memref<4x1x1x2048xf32, #tpu.memory_space<vmem>> -> memref<1x1x1x2048xf32, #tpu.memory_space<vmem>>
    %dma_start3A_34 = tpu.memref_squeeze %dma_start3A_33 : memref<1x1x1x2048xf32, #tpu.memory_space<vmem>> -> memref<1x1x2048xf32, #tpu.memory_space<vmem>>
    %dma_start3A_35 = arith.constant 2 : i32
    %dma_start3A_36 = arith.constant 0 : i32
    %dma_start3A_37 = tpu.memref_slice %arg2[%dma_start3A_35, %reduce_sum3A_18, %dma_start3A_36] : memref<3x543x2048xf32, #tpu.memory_space<hbm>> -> memref<1x1x2048xf32, #tpu.memory_space<hbm>>
    tpu.enqueue_dma source(%dma_start3A_37 : memref<1x1x2048xf32, #tpu.memory_space<hbm>>) target(%dma_start3A_34 : memref<1x1x2048xf32, #tpu.memory_space<vmem>>) target_semaphore(%dma_start3A_29 : memref<!tpu.dma_semaphore, #tpu.memory_space<semaphore_mem>>)
    %sub3A_38 = arith.constant 1 : i32
    %sub3A_39 = arith.subi %max3A_7, %sub3A_38 : i32
    %min3A_40 = arith.constant 1 : i32
    %min3A_41 = arith.minsi %min3A_40, %sub3A_39 : i32
    %max3A_42 = arith.constant 0 : i32
    %max3A_43 = arith.maxsi %min3A_41, %max3A_42 : i32
    %eq3A_44 = vector.broadcast %max3A_43 : i32 to vector<16xi32>
    %eq3A_45 = arith.cmpi eq, %iota3A, %eq3A_44 : vector<16xi32>
    %jit3A_46 = arith.constant 0 : i32
    %broadcast_in_dim3A_47 = vector.broadcast %jit3A_46 : i32 to vector<16xi32>
    %select_n3A_48 = arith.select %eq3A_45, %get3A_3, %broadcast_in_dim3A_47 : vector<16xi1>, vector<16xi32>
    %reduce_sum3A_49 = arith.constant true
    %reduce_sum3A_50 = vector.broadcast %reduce_sum3A_49 : i1 to vector<16xi1>
    %reduce_sum3A_51 = tpu.scan <sum>, %select_n3A_48 masked %reduce_sum3A_50 : vector<16xi32>, vector<16xi1> -> vector<16xi32>
    %reduce_sum3A_52 = vector.extract %reduce_sum3A_51[15] : i32 from vector<16xi32>
    %dma_start3A_53 = arith.constant 1 : i32
    %dma_start3A_54 = arith.constant 1 : i32
    %dma_start3A_55 = arith.constant 0 : i32
    %dma_start3A_56 = arith.constant 0 : i32
    %dma_start3A_57 = arith.constant 0 : i32
    %dma_start3A_58 = tpu.memref_slice %arg7[%dma_start3A_53, %dma_start3A_55, %dma_start3A_56, %dma_start3A_57] : memref<4x1x1x2048xf32, #tpu.memory_space<vmem>> -> memref<1x1x1x2048xf32, #tpu.memory_space<vmem>>
    %dma_start3A_59 = tpu.memref_squeeze %dma_start3A_58 : memref<1x1x1x2048xf32, #tpu.memory_space<vmem>> -> memref<1x1x2048xf32, #tpu.memory_space<vmem>>
    %dma_start3A_60 = arith.constant 2 : i32
    %dma_start3A_61 = arith.constant 0 : i32
    %dma_start3A_62 = tpu.memref_slice %arg2[%dma_start3A_60, %reduce_sum3A_52, %dma_start3A_61] : memref<3x543x2048xf32, #tpu.memory_space<hbm>> -> memref<1x1x2048xf32, #tpu.memory_space<hbm>>
    %dma_start3A_63 = tpu.memref_slice %arg10[%dma_start3A_54] : memref<4x!tpu.dma_semaphore, #tpu.memory_space<semaphore_mem>> -> memref<1x!tpu.dma_semaphore, #tpu.memory_space<semaphore_mem>>
    %dma_start3A_64 = tpu.memref_squeeze %dma_start3A_63 : memref<1x!tpu.dma_semaphore, #tpu.memory_space<semaphore_mem>> -> memref<!tpu.dma_semaphore, #tpu.memory_space<semaphore_mem>>
    %dma_start3A_65 = arith.constant 0 : i32
    %dma_start3A_66 = arith.constant 0 : i32
    %dma_start3A_67 = arith.constant 0 : i32
    %dma_start3A_68 = tpu.memref_slice %arg7[%dma_start3A_53, %dma_start3A_65, %dma_start3A_66, %dma_start3A_67] : memref<4x1x1x2048xf32, #tpu.memory_space<vmem>> -> memref<1x1x1x2048xf32, #tpu.memory_space<vmem>>
    %dma_start3A_69 = tpu.memref_squeeze %dma_start3A_68 : memref<1x1x1x2048xf32, #tpu.memory_space<vmem>> -> memref<1x1x2048xf32, #tpu.memory_space<vmem>>
    %dma_start3A_70 = arith.constant 2 : i32
    %dma_start3A_71 = arith.constant 0 : i32
    %dma_start3A_72 = tpu.memref_slice %arg2[%dma_start3A_70, %reduce_sum3A_52, %dma_start3A_71] : memref<3x543x2048xf32, #tpu.memory_space<hbm>> -> memref<1x1x2048xf32, #tpu.memory_space<hbm>>
    tpu.enqueue_dma source(%dma_start3A_72 : memref<1x1x2048xf32, #tpu.memory_space<hbm>>) target(%dma_start3A_69 : memref<1x1x2048xf32, #tpu.memory_space<vmem>>) target_semaphore(%dma_start3A_64 : memref<!tpu.dma_semaphore, #tpu.memory_space<semaphore_mem>>)
    %sub3A_73 = arith.constant 1 : i32
    %sub3A_74 = arith.subi %max3A_7, %sub3A_73 : i32
    %min3A_75 = arith.constant 2 : i32
    %min3A_76 = arith.minsi %min3A_75, %sub3A_74 : i32
    %max3A_77 = arith.constant 0 : i32
    %max3A_78 = arith.maxsi %min3A_76, %max3A_77 : i32
    %eq3A_79 = vector.broadcast %max3A_78 : i32 to vector<16xi32>
    %eq3A_80 = arith.cmpi eq, %iota3A, %eq3A_79 : vector<16xi32>
    %jit3A_81 = arith.constant 0 : i32
    %broadcast_in_dim3A_82 = vector.broadcast %jit3A_81 : i32 to vector<16xi32>
    %select_n3A_83 = arith.select %eq3A_80, %get3A_3, %broadcast_in_dim3A_82 : vector<16xi1>, vector<16xi32>
    %reduce_sum3A_84 = arith.constant true
    %reduce_sum3A_85 = vector.broadcast %reduce_sum3A_84 : i1 to vector<16xi1>
    %reduce_sum3A_86 = tpu.scan <sum>, %select_n3A_83 masked %reduce_sum3A_85 : vector<16xi32>, vector<16xi1> -> vector<16xi32>
    %reduce_sum3A_87 = vector.extract %reduce_sum3A_86[15] : i32 from vector<16xi32>
    %dma_start3A_88 = arith.constant 2 : i32
    %dma_start3A_89 = arith.constant 2 : i32
    %dma_start3A_90 = arith.constant 0 : i32
    %dma_start3A_91 = arith.constant 0 : i32
    %dma_start3A_92 = arith.constant 0 : i32
    %dma_start3A_93 = tpu.memref_slice %arg7[%dma_start3A_88, %dma_start3A_90, %dma_start3A_91, %dma_start3A_92] : memref<4x1x1x2048xf32, #tpu.memory_space<vmem>> -> memref<1x1x1x2048xf32, #tpu.memory_space<vmem>>
    %dma_start3A_94 = tpu.memref_squeeze %dma_start3A_93 : memref<1x1x1x2048xf32, #tpu.memory_space<vmem>> -> memref<1x1x2048xf32, #tpu.memory_space<vmem>>
    %dma_start3A_95 = arith.constant 2 : i32
    %dma_start3A_96 = arith.constant 0 : i32
    %dma_start3A_97 = tpu.memref_slice %arg2[%dma_start3A_95, %reduce_sum3A_87, %dma_start3A_96] : memref<3x543x2048xf32, #tpu.memory_space<hbm>> -> memref<1x1x2048xf32, #tpu.memory_space<hbm>>
    %dma_start3A_98 = tpu.memref_slice %arg10[%dma_start3A_89] : memref<4x!tpu.dma_semaphore, #tpu.memory_space<semaphore_mem>> -> memref<1x!tpu.dma_semaphore, #tpu.memory_space<semaphore_mem>>
    %dma_start3A_99 = tpu.memref_squeeze %dma_start3A_98 : memref<1x!tpu.dma_semaphore, #tpu.memory_space<semaphore_mem>> -> memref<!tpu.dma_semaphore, #tpu.memory_space<semaphore_mem>>
    %dma_start3A_100 = arith.constant 0 : i32
    %dma_start3A_101 = arith.constant 0 : i32
    %dma_start3A_102 = arith.constant 0 : i32
    %dma_start3A_103 = tpu.memref_slice %arg7[%dma_start3A_88, %dma_start3A_100, %dma_start3A_101, %dma_start3A_102] : memref<4x1x1x2048xf32, #tpu.memory_space<vmem>> -> memref<1x1x1x2048xf32, #tpu.memory_space<vmem>>
    %dma_start3A_104 = tpu.memref_squeeze %dma_start3A_103 : memref<1x1x1x2048xf32, #tpu.memory_space<vmem>> -> memref<1x1x2048xf32, #tpu.memory_space<vmem>>
    %dma_start3A_105 = arith.constant 2 : i32
    %dma_start3A_106 = arith.constant 0 : i32
    %dma_start3A_107 = tpu.memref_slice %arg2[%dma_start3A_105, %reduce_sum3A_87, %dma_start3A_106] : memref<3x543x2048xf32, #tpu.memory_space<hbm>> -> memref<1x1x2048xf32, #tpu.memory_space<hbm>>
    tpu.enqueue_dma source(%dma_start3A_107 : memref<1x1x2048xf32, #tpu.memory_space<hbm>>) target(%dma_start3A_104 : memref<1x1x2048xf32, #tpu.memory_space<vmem>>) target_semaphore(%dma_start3A_99 : memref<!tpu.dma_semaphore, #tpu.memory_space<semaphore_mem>>)
    %sub3A_108 = arith.constant 1 : i32
    %sub3A_109 = arith.subi %max3A_7, %sub3A_108 : i32
    %min3A_110 = arith.constant 3 : i32
    %min3A_111 = arith.minsi %min3A_110, %sub3A_109 : i32
    %max3A_112 = arith.constant 0 : i32
    %max3A_113 = arith.maxsi %min3A_111, %max3A_112 : i32
    %eq3A_114 = vector.broadcast %max3A_113 : i32 to vector<16xi32>
    %eq3A_115 = arith.cmpi eq, %iota3A, %eq3A_114 : vector<16xi32>
    %jit3A_116 = arith.constant 0 : i32
    %broadcast_in_dim3A_117 = vector.broadcast %jit3A_116 : i32 to vector<16xi32>
    %select_n3A_118 = arith.select %eq3A_115, %get3A_3, %broadcast_in_dim3A_117 : vector<16xi1>, vector<16xi32>
    %reduce_sum3A_119 = arith.constant true
    %reduce_sum3A_120 = vector.broadcast %reduce_sum3A_119 : i1 to vector<16xi1>
    %reduce_sum3A_121 = tpu.scan <sum>, %select_n3A_118 masked %reduce_sum3A_120 : vector<16xi32>, vector<16xi1> -> vector<16xi32>
    %reduce_sum3A_122 = vector.extract %reduce_sum3A_121[15] : i32 from vector<16xi32>
    %dma_start3A_123 = arith.constant 3 : i32
    %dma_start3A_124 = arith.constant 3 : i32
    %dma_start3A_125 = arith.constant 0 : i32
    %dma_start3A_126 = arith.constant 0 : i32
    %dma_start3A_127 = arith.constant 0 : i32
    %dma_start3A_128 = tpu.memref_slice %arg7[%dma_start3A_123, %dma_start3A_125, %dma_start3A_126, %dma_start3A_127] : memref<4x1x1x2048xf32, #tpu.memory_space<vmem>> -> memref<1x1x1x2048xf32, #tpu.memory_space<vmem>>
    %dma_start3A_129 = tpu.memref_squeeze %dma_start3A_128 : memref<1x1x1x2048xf32, #tpu.memory_space<vmem>> -> memref<1x1x2048xf32, #tpu.memory_space<vmem>>
    %dma_start3A_130 = arith.constant 2 : i32
    %dma_start3A_131 = arith.constant 0 : i32
    %dma_start3A_132 = tpu.memref_slice %arg2[%dma_start3A_130, %reduce_sum3A_122, %dma_start3A_131] : memref<3x543x2048xf32, #tpu.memory_space<hbm>> -> memref<1x1x2048xf32, #tpu.memory_space<hbm>>
    %dma_start3A_133 = tpu.memref_slice %arg10[%dma_start3A_124] : memref<4x!tpu.dma_semaphore, #tpu.memory_space<semaphore_mem>> -> memref<1x!tpu.dma_semaphore, #tpu.memory_space<semaphore_mem>>
    %dma_start3A_134 = tpu.memref_squeeze %dma_start3A_133 : memref<1x!tpu.dma_semaphore, #tpu.memory_space<semaphore_mem>> -> memref<!tpu.dma_semaphore, #tpu.memory_space<semaphore_mem>>
    %dma_start3A_135 = arith.constant 0 : i32
    %dma_start3A_136 = arith.constant 0 : i32
    %dma_start3A_137 = arith.constant 0 : i32
    %dma_start3A_138 = tpu.memref_slice %arg7[%dma_start3A_123, %dma_start3A_135, %dma_start3A_136, %dma_start3A_137] : memref<4x1x1x2048xf32, #tpu.memory_space<vmem>> -> memref<1x1x1x2048xf32, #tpu.memory_space<vmem>>
    %dma_start3A_139 = tpu.memref_squeeze %dma_start3A_138 : memref<1x1x1x2048xf32, #tpu.memory_space<vmem>> -> memref<1x1x2048xf32, #tpu.memory_space<vmem>>
    %dma_start3A_140 = arith.constant 2 : i32
    %dma_start3A_141 = arith.constant 0 : i32
    %dma_start3A_142 = tpu.memref_slice %arg2[%dma_start3A_140, %reduce_sum3A_122, %dma_start3A_141] : memref<3x543x2048xf32, #tpu.memory_space<hbm>> -> memref<1x1x2048xf32, #tpu.memory_space<hbm>>
    tpu.enqueue_dma source(%dma_start3A_142 : memref<1x1x2048xf32, #tpu.memory_space<hbm>>) target(%dma_start3A_139 : memref<1x1x2048xf32, #tpu.memory_space<vmem>>) target_semaphore(%dma_start3A_134 : memref<!tpu.dma_semaphore, #tpu.memory_space<semaphore_mem>>)
    %broadcast_in_dim3A_143 = arith.constant 0.000000e+00 : f32
    %broadcast_in_dim3A_144 = vector.broadcast %broadcast_in_dim3A_143 : f32 to vector<16xf32>
    %scan3A = arith.constant 0 : i32
    %scan3A_145 = arith.constant 4 : i32
    %scan3A_146 = arith.addi %scan3A, %scan3A_145 : i32
    %scan3A_147 = arith.constant 1 : i32
    %scan3A_148:2 = scf.for %scan3A_200 = %scan3A to %scan3A_146 step %scan3A_147 iter_args(%scan3A_201 = %broadcast_in_dim3A_144, %scan3A_202 = %broadcast_in_dim3A_144) -> (vector<16xf32>, vector<16xf32>)  : i32 {
      %dma_wait3A_203 = arith.constant 0 : i32
      %dma_wait3A_204 = arith.constant 0 : i32
      %dma_wait3A_205 = arith.constant 0 : i32
      %dma_wait3A_206 = tpu.memref_slice %arg7[%scan3A_200, %dma_wait3A_203, %dma_wait3A_204, %dma_wait3A_205] : memref<4x1x1x2048xf32, #tpu.memory_space<vmem>> -> memref<1x1x1x2048xf32, #tpu.memory_space<vmem>>
      %dma_wait3A_207 = tpu.memref_squeeze %dma_wait3A_206 : memref<1x1x1x2048xf32, #tpu.memory_space<vmem>> -> memref<1x1x2048xf32, #tpu.memory_space<vmem>>
      %dma_wait3A_208 = arith.constant 0 : i32
      %dma_wait3A_209 = arith.constant 0 : i32
      %dma_wait3A_210 = arith.constant 0 : i32
      %dma_wait3A_211 = tpu.memref_slice %arg2[%dma_wait3A_208, %dma_wait3A_209, %dma_wait3A_210] : memref<3x543x2048xf32, #tpu.memory_space<hbm>> -> memref<1x1x2048xf32, #tpu.memory_space<hbm>>
      %dma_wait3A_212 = tpu.memref_slice %arg10[%scan3A_200] : memref<4x!tpu.dma_semaphore, #tpu.memory_space<semaphore_mem>> -> memref<1x!tpu.dma_semaphore, #tpu.memory_space<semaphore_mem>>
      %dma_wait3A_213 = tpu.memref_squeeze %dma_wait3A_212 : memref<1x!tpu.dma_semaphore, #tpu.memory_space<semaphore_mem>> -> memref<!tpu.dma_semaphore, #tpu.memory_space<semaphore_mem>>
      %dma_wait3A_214 = arith.constant 0 : i32
      %dma_wait3A_215 = arith.constant 0 : i32
      %dma_wait3A_216 = arith.constant 0 : i32
      %dma_wait3A_217 = tpu.memref_slice %arg7[%scan3A_200, %dma_wait3A_214, %dma_wait3A_215, %dma_wait3A_216] : memref<4x1x1x2048xf32, #tpu.memory_space<vmem>> -> memref<1x1x1x2048xf32, #tpu.memory_space<vmem>>
      %dma_wait3A_218 = tpu.memref_squeeze %dma_wait3A_217 : memref<1x1x1x2048xf32, #tpu.memory_space<vmem>> -> memref<1x1x2048xf32, #tpu.memory_space<vmem>>
      %dma_wait3A_219 = arith.constant 0 : i32
      %dma_wait3A_220 = arith.constant 0 : i32
      %dma_wait3A_221 = arith.constant 0 : i32
      %dma_wait3A_222 = tpu.memref_slice %arg2[%dma_wait3A_219, %dma_wait3A_220, %dma_wait3A_221] : memref<3x543x2048xf32, #tpu.memory_space<hbm>> -> memref<1x1x2048xf32, #tpu.memory_space<hbm>>
      tpu.wait_dma2 semaphore(%dma_wait3A_213 : memref<!tpu.dma_semaphore, #tpu.memory_space<semaphore_mem>>) src(%dma_wait3A_222 : memref<1x1x2048xf32, #tpu.memory_space<hbm>>) dst(%dma_wait3A_218 : memref<1x1x2048xf32, #tpu.memory_space<vmem>>)
      %broadcast_in_dim3A_223 = arith.constant 0.000000e+00 : f32
      %broadcast_in_dim3A_224 = vector.broadcast %broadcast_in_dim3A_223 : f32 to vector<16xf32>
      %scan3A_225 = arith.constant 0 : i32
      %scan3A_226 = arith.constant 16 : i32
      %scan3A_227 = arith.addi %scan3A_225, %scan3A_226 : i32
      %scan3A_228 = arith.constant 1 : i32
      %scan3A_229:2 = scf.for %scan3A_262 = %scan3A_225 to %scan3A_227 step %scan3A_228 iter_args(%scan3A_263 = %broadcast_in_dim3A_224, %scan3A_264 = %broadcast_in_dim3A_224) -> (vector<16xf32>, vector<16xf32>)  : i32 {
        %mul3A_265 = arith.constant 128 : i32
        %mul3A_266 = arith.muli %scan3A_262, %mul3A_265 : i32
        %add3A_267 = arith.constant 0 : i32
        %add3A_268 = arith.addi %mul3A_266, %add3A_267 : i32
        %get3A_269 = arith.constant 0 : i32
        %get3A_270 = arith.constant 0 : i32
        %get3A_271 = arith.index_cast %scan3A_200 : i32 to index
        %get3A_272 = arith.index_cast %get3A_269 : i32 to index
        %get3A_273 = arith.index_cast %get3A_270 : i32 to index
        %get3A_274 = arith.index_cast %add3A_268 : i32 to index
        %get3A_275 = tpu.vector_load %arg7[%get3A_271, %get3A_272, %get3A_273, %get3A_274] {strides = array<i32>} : memref<4x1x1x2048xf32, #tpu.memory_space<vmem>>, vector<16xf32>,
        %mul3A_276 = arith.constant 128 : i32
        %mul3A_277 = arith.muli %scan3A_262, %mul3A_276 : i32
        %add3A_278 = arith.constant 16 : i32
        %add3A_279 = arith.addi %mul3A_277, %add3A_278 : i32
        %get3A_280 = arith.constant 0 : i32
        %get3A_281 = arith.constant 0 : i32
        %get3A_282 = arith.index_cast %scan3A_200 : i32 to index
        %get3A_283 = arith.index_cast %get3A_280 : i32 to index
        %get3A_284 = arith.index_cast %get3A_281 : i32 to index
        %get3A_285 = arith.index_cast %add3A_279 : i32 to index
        %get3A_286 = tpu.vector_load %arg7[%get3A_282, %get3A_283, %get3A_284, %get3A_285] {strides = array<i32>} : memref<4x1x1x2048xf32, #tpu.memory_space<vmem>>, vector<16xf32>,
        %mul3A_287 = arith.constant 128 : i32
        %mul3A_288 = arith.muli %scan3A_262, %mul3A_287 : i32
        %add3A_289 = arith.constant 32 : i32
        %add3A_290 = arith.addi %mul3A_288, %add3A_289 : i32
        %get3A_291 = arith.constant 0 : i32
        %get3A_292 = arith.constant 0 : i32
        %get3A_293 = arith.index_cast %scan3A_200 : i32 to index
        %get3A_294 = arith.index_cast %get3A_291 : i32 to index
        %get3A_295 = arith.index_cast %get3A_292 : i32 to index
        %get3A_296 = arith.index_cast %add3A_290 : i32 to index
        %get3A_297 = tpu.vector_load %arg7[%get3A_293, %get3A_294, %get3A_295, %get3A_296] {strides = array<i32>} : memref<4x1x1x2048xf32, #tpu.memory_space<vmem>>, vector<16xf32>,
        %mul3A_298 = arith.constant 128 : i32
        %mul3A_299 = arith.muli %scan3A_262, %mul3A_298 : i32
        %add3A_300 = arith.constant 48 : i32
        %add3A_301 = arith.addi %mul3A_299, %add3A_300 : i32
        %get3A_302 = arith.constant 0 : i32
        %get3A_303 = arith.constant 0 : i32
        %get3A_304 = arith.index_cast %scan3A_200 : i32 to index
        %get3A_305 = arith.index_cast %get3A_302 : i32 to index
        %get3A_306 = arith.index_cast %get3A_303 : i32 to index
        %get3A_307 = arith.index_cast %add3A_301 : i32 to index
        %get3A_308 = tpu.vector_load %arg7[%get3A_304, %get3A_305, %get3A_306, %get3A_307] {strides = array<i32>} : memref<4x1x1x2048xf32, #tpu.memory_space<vmem>>, vector<16xf32>,
        %mul3A_309 = arith.constant 128 : i32
        %mul3A_310 = arith.muli %scan3A_262, %mul3A_309 : i32
        %add3A_311 = arith.constant 64 : i32
        %add3A_312 = arith.addi %mul3A_310, %add3A_311 : i32
        %get3A_313 = arith.constant 0 : i32
        %get3A_314 = arith.constant 0 : i32
        %get3A_315 = arith.index_cast %scan3A_200 : i32 to index
        %get3A_316 = arith.index_cast %get3A_313 : i32 to index
        %get3A_317 = arith.index_cast %get3A_314 : i32 to index
        %get3A_318 = arith.index_cast %add3A_312 : i32 to index
        %get3A_319 = tpu.vector_load %arg7[%get3A_315, %get3A_316, %get3A_317, %get3A_318] {strides = array<i32>} : memref<4x1x1x2048xf32, #tpu.memory_space<vmem>>, vector<16xf32>,
        %mul3A_320 = arith.constant 128 : i32
        %mul3A_321 = arith.muli %scan3A_262, %mul3A_320 : i32
        %add3A_322 = arith.constant 80 : i32
        %add3A_323 = arith.addi %mul3A_321, %add3A_322 : i32
        %get3A_324 = arith.constant 0 : i32
        %get3A_325 = arith.constant 0 : i32
        %get3A_326 = arith.index_cast %scan3A_200 : i32 to index
        %get3A_327 = arith.index_cast %get3A_324 : i32 to index
        %get3A_328 = arith.index_cast %get3A_325 : i32 to index
        %get3A_329 = arith.index_cast %add3A_323 : i32 to index
        %get3A_330 = tpu.vector_load %arg7[%get3A_326, %get3A_327, %get3A_328, %get3A_329] {strides = array<i32>} : memref<4x1x1x2048xf32, #tpu.memory_space<vmem>>, vector<16xf32>,
        %mul3A_331 = arith.constant 128 : i32
        %mul3A_332 = arith.muli %scan3A_262, %mul3A_331 : i32
        %add3A_333 = arith.constant 96 : i32
        %add3A_334 = arith.addi %mul3A_332, %add3A_333 : i32
        %get3A_335 = arith.constant 0 : i32
        %get3A_336 = arith.constant 0 : i32
        %get3A_337 = arith.index_cast %scan3A_200 : i32 to index
        %get3A_338 = arith.index_cast %get3A_335 : i32 to index
        %get3A_339 = arith.index_cast %get3A_336 : i32 to index
        %get3A_340 = arith.index_cast %add3A_334 : i32 to index
        %get3A_341 = tpu.vector_load %arg7[%get3A_337, %get3A_338, %get3A_339, %get3A_340] {strides = array<i32>} : memref<4x1x1x2048xf32, #tpu.memory_space<vmem>>, vector<16xf32>,
        %mul3A_342 = arith.constant 128 : i32
        %mul3A_343 = arith.muli %scan3A_262, %mul3A_342 : i32
        %add3A_344 = arith.constant 112 : i32
        %add3A_345 = arith.addi %mul3A_343, %add3A_344 : i32
        %get3A_346 = arith.constant 0 : i32
        %get3A_347 = arith.constant 0 : i32
        %get3A_348 = arith.index_cast %scan3A_200 : i32 to index
        %get3A_349 = arith.index_cast %get3A_346 : i32 to index
        %get3A_350 = arith.index_cast %get3A_347 : i32 to index
        %get3A_351 = arith.index_cast %add3A_345 : i32 to index
        %get3A_352 = tpu.vector_load %arg7[%get3A_348, %get3A_349, %get3A_350, %get3A_351] {strides = array<i32>} : memref<4x1x1x2048xf32, #tpu.memory_space<vmem>>, vector<16xf32>,
        %add3A_353 = arith.addf %get3A_275, %get3A_286 : vector<16xf32>
        %add3A_354 = arith.addf %get3A_297, %get3A_308 : vector<16xf32>
        %add3A_355 = arith.addf %add3A_353, %add3A_354 : vector<16xf32>
        %add3A_356 = arith.addf %get3A_319, %get3A_330 : vector<16xf32>
        %add3A_357 = arith.addf %get3A_341, %get3A_352 : vector<16xf32>
        %add3A_358 = arith.addf %add3A_356, %add3A_357 : vector<16xf32>
        %mul3A_359 = arith.mulf %get3A_275, %get3A_275 : vector<16xf32>
        %mul3A_360 = arith.mulf %get3A_286, %get3A_286 : vector<16xf32>
        %add3A_361 = arith.addf %mul3A_359, %mul3A_360 : vector<16xf32>
        %mul3A_362 = arith.mulf %get3A_297, %get3A_297 : vector<16xf32>
        %mul3A_363 = arith.mulf %get3A_308, %get3A_308 : vector<16xf32>
        %add3A_364 = arith.addf %mul3A_362, %mul3A_363 : vector<16xf32>
        %add3A_365 = arith.addf %add3A_361, %add3A_364 : vector<16xf32>
        %mul3A_366 = arith.mulf %get3A_319, %get3A_319 : vector<16xf32>
        %mul3A_367 = arith.mulf %get3A_330, %get3A_330 : vector<16xf32>
        %add3A_368 = arith.addf %mul3A_366, %mul3A_367 : vector<16xf32>
        %mul3A_369 = arith.mulf %get3A_341, %get3A_341 : vector<16xf32>
        %mul3A_370 = arith.mulf %get3A_352, %get3A_352 : vector<16xf32>
        %add3A_371 = arith.addf %mul3A_369, %mul3A_370 : vector<16xf32>
        %add3A_372 = arith.addf %add3A_368, %add3A_371 : vector<16xf32>
        %add3A_373 = arith.addf %add3A_355, %add3A_358 : vector<16xf32>
        %add3A_374 = arith.addf %scan3A_263, %add3A_373 : vector<16xf32>
        %add3A_375 = arith.addf %add3A_365, %add3A_372 : vector<16xf32>
        %add3A_376 = arith.addf %scan3A_264, %add3A_375 : vector<16xf32>
        scf.yield %add3A_374, %add3A_376 : vector<16xf32>, vector<16xf32>
      }
      %scan3A_230 = arith.constant 16 : i32
      %lt3A = arith.cmpi slt, %scan3A_200, %max3A_7 : i32
      %jit3A_231 = arith.constant 1.000000e+00 : f32
      %jit3A_232 = arith.constant 0.000000e+00 : f32
      %select_n3A_233 = arith.select %lt3A, %jit3A_231, %jit3A_232 : f32
      %mul3A_234 = vector.broadcast %select_n3A_233 : f32 to vector<16xf32>
      %mul3A_235 = arith.mulf %scan3A_229#0, %mul3A_234 : vector<16xf32>
      %add3A_236 = arith.addf %scan3A_201, %mul3A_235 : vector<16xf32>
      %mul3A_237 = vector.broadcast %select_n3A_233 : f32 to vector<16xf32>
      %mul3A_238 = arith.mulf %scan3A_229#1, %mul3A_237 : vector<16xf32>
      %add3A_239 = arith.addf %scan3A_202, %mul3A_238 : vector<16xf32>
      %add3A_240 = vector.broadcast %scan3A_200 : i32 to vector<16xi32>
      %add3A_241 = arith.addi %broadcast_in_dim3A_4, %add3A_240 : vector<16xi32>
      %scan3A_242 = arith.constant 0 : i32
      %scan3A_243 = arith.constant 0 : i32
      %scan3A_244 = arith.constant 7 : i32
      %scan3A_245 = arith.addi %scan3A_243, %scan3A_244 : i32
      %scan3A_246 = arith.constant 1 : i32
      %scan3A_247 = scf.for %scan3A_262 = %scan3A_243 to %scan3A_245 step %scan3A_246 iter_args(%scan3A_263 = %scan3A_242) -> (i32)  : i32 {
        %mul3A_264 = arith.constant 16 : i32
        %mul3A_265 = arith.muli %scan3A_262, %mul3A_264 : i32
        %add3A_266 = arith.constant 144 : i32
        %add3A_267 = arith.addi %add3A_266, %mul3A_265 : i32
        %get3A_268 = arith.index_cast %add3A_267 : i32 to index
        %get3A_269 = tpu.vector_load %arg6[%get3A_268] {strides = array<i32>} : memref<480xi32, #tpu.memory_space<vmem>>, vector<16xi32>,
        %gather3A = tpu.vector_load_idx %arg7[%add3A_241, %broadcast_in_dim3A_4, %broadcast_in_dim3A_4, %get3A_269] : memref<4x1x1x2048xf32, #tpu.memory_space<vmem>>[vector<16xi32>, vector<16xi32>, vector<16xi32>, vector<16xi32>], vector<16xf32>,
        %mul3A_270 = arith.constant 16 : i32
        %mul3A_271 = arith.muli %scan3A_262, %mul3A_270 : i32
        %add3A_272 = arith.constant 256 : i32
        %add3A_273 = arith.addi %add3A_272, %mul3A_271 : i32
        %get3A_274 = arith.index_cast %add3A_273 : i32 to index
        %get3A_275 = tpu.vector_load %arg6[%get3A_274] {strides = array<i32>} : memref<480xi32, #tpu.memory_space<vmem>>, vector<16xi32>,
        %gather3A_276 = tpu.vector_load_idx %arg7[%add3A_241, %broadcast_in_dim3A_4, %broadcast_in_dim3A_4, %get3A_275] : memref<4x1x1x2048xf32, #tpu.memory_space<vmem>>[vector<16xi32>, vector<16xi32>, vector<16xi32>, vector<16xi32>], vector<16xf32>,
        %mul3A_277 = arith.constant 16 : i32
        %mul3A_278 = arith.muli %scan3A_262, %mul3A_277 : i32
        %add3A_279 = arith.constant 368 : i32
        %add3A_280 = arith.addi %add3A_279, %mul3A_278 : i32
        %get3A_281 = arith.index_cast %add3A_280 : i32 to index
        %get3A_282 = tpu.vector_load %arg6[%get3A_281] {strides = array<i32>} : memref<480xi32, #tpu.memory_space<vmem>>, vector<16xi32>,
        %bitcast3A = vector.bitcast %get3A_282 : vector<16xi32> to vector<16xf32>
        %sub3A_283 = arith.constant 1.000000e+00 : f32
        %sub3A_284 = vector.broadcast %sub3A_283 : f32 to vector<16xf32>
        %sub3A_285 = arith.subf %sub3A_284, %bitcast3A : vector<16xf32>
        %mul3A_286 = arith.mulf %gather3A, %sub3A_285 : vector<16xf32>
        %mul3A_287 = arith.mulf %gather3A_276, %bitcast3A : vector<16xf32>
        %add3A_288 = arith.addf %mul3A_286, %mul3A_287 : vector<16xf32>
        %mul3A_289 = arith.constant 16 : i32
        %mul3A_290 = arith.muli %scan3A_262, %mul3A_289 : i32
        %swap3A_291 = arith.index_cast %scan3A_200 : i32 to index
        %swap3A_292 = arith.index_cast %mul3A_290 : i32 to index
        %swap3A_293 = tpu.vector_load %arg8[%swap3A_291, %swap3A_292] {strides = array<i32>} : memref<4x112xf32, #tpu.memory_space<vmem>>, vector<16xf32>,
        tpu.vector_store %arg8[%swap3A_291, %swap3A_292], %add3A_288 {strides = array<i32>} : memref<4x112xf32, #tpu.memory_space<vmem>>, vector<16xf32>,
        %scan3A_294 = arith.constant 0 : i32
        scf.yield %scan3A_294 : i32
      }
      %scan3A_248 = arith.constant 7 : i32
      %mul3A_249 = arith.constant 4 : i32
      %mul3A_250 = arith.muli %add3A, %mul3A_249 : i32
      %add3A_251 = arith.addi %mul3A_250, %scan3A_200 : i32
      %mul3A_252 = arith.constant 128 : i32
      %mul3A_253 = arith.muli %add3A_251, %mul3A_252 : i32
      %dma_start3A_254 = arith.constant 0 : i32
      %dma_start3A_255 = tpu.memref_slice %arg8[%scan3A_200, %dma_start3A_254] : memref<4x112xf32, #tpu.memory_space<vmem>> -> memref<1x112xf32, #tpu.memory_space<vmem>>
      %dma_start3A_256 = tpu.memref_squeeze %dma_start3A_255 : memref<1x112xf32, #tpu.memory_space<vmem>> -> memref<112xf32, #tpu.memory_space<vmem>>
      %dma_start3A_257 = tpu.memref_slice %arg4[%mul3A_253] : memref<16384xf32, #tpu.memory_space<hbm>> -> memref<112xf32, #tpu.memory_space<hbm>>
      %dma_start3A_258 = tpu.memref_slice %arg4[%mul3A_253] : memref<16384xf32, #tpu.memory_space<hbm>> -> memref<112xf32, #tpu.memory_space<hbm>>
      %dma_start3A_259 = arith.constant 0 : i32
      %dma_start3A_260 = tpu.memref_slice %arg8[%scan3A_200, %dma_start3A_259] : memref<4x112xf32, #tpu.memory_space<vmem>> -> memref<1x112xf32, #tpu.memory_space<vmem>>
      %dma_start3A_261 = tpu.memref_squeeze %dma_start3A_260 : memref<1x112xf32, #tpu.memory_space<vmem>> -> memref<112xf32, #tpu.memory_space<vmem>>
      tpu.enqueue_dma source(%dma_start3A_261 : memref<112xf32, #tpu.memory_space<vmem>>) target(%dma_start3A_258 : memref<112xf32, #tpu.memory_space<hbm>>) target_semaphore(%arg11 : memref<!tpu.dma_semaphore, #tpu.memory_space<semaphore_mem>>)
      scf.yield %add3A_236, %add3A_239 : vector<16xf32>, vector<16xf32>
    }
    %scan3A_149 = arith.constant 4 : i32
    %swap3A = arith.constant 0 : index
    %swap3A_150 = tpu.vector_load %arg9[%swap3A] {strides = array<i32>} : memref<32xf32, #tpu.memory_space<vmem>>, vector<16xf32>,
    tpu.vector_store %arg9[%swap3A], %scan3A_148#0 {strides = array<i32>} : memref<32xf32, #tpu.memory_space<vmem>>, vector<16xf32>,
    %swap3A_151 = arith.constant 16 : index
    %swap3A_152 = tpu.vector_load %arg9[%swap3A_151] {strides = array<i32>} : memref<32xf32, #tpu.memory_space<vmem>>, vector<16xf32>,
    tpu.vector_store %arg9[%swap3A_151], %scan3A_148#1 {strides = array<i32>} : memref<32xf32, #tpu.memory_space<vmem>>, vector<16xf32>,
    %mul3A_153 = arith.constant 2 : i32
    %mul3A_154 = arith.muli %add3A, %mul3A_153 : i32
    %mul3A_155 = arith.constant 16 : i32
    %mul3A_156 = arith.muli %mul3A_154, %mul3A_155 : i32
    "tpu.region"() ({
      %run_scoped3A = tpu.sem_alloc : memref<!tpu.dma_semaphore, #tpu.memory_space<semaphore_mem>>
      %dma_start3A_200 = tpu.memref_slice %arg5[%mul3A_156] : memref<1024xf32, #tpu.memory_space<hbm>> -> memref<32xf32, #tpu.memory_space<hbm>>
      %dma_start3A_201 = tpu.memref_slice %arg5[%mul3A_156] : memref<1024xf32, #tpu.memory_space<hbm>> -> memref<32xf32, #tpu.memory_space<hbm>>
      tpu.enqueue_dma source(%arg9 : memref<32xf32, #tpu.memory_space<vmem>>) target(%dma_start3A_201 : memref<32xf32, #tpu.memory_space<hbm>>) target_semaphore(%run_scoped3A : memref<!tpu.dma_semaphore, #tpu.memory_space<semaphore_mem>>)
      %dma_wait3A_202 = tpu.memref_slice %arg5[%mul3A_156] : memref<1024xf32, #tpu.memory_space<hbm>> -> memref<32xf32, #tpu.memory_space<hbm>>
      %dma_wait3A_203 = tpu.memref_slice %arg5[%mul3A_156] : memref<1024xf32, #tpu.memory_space<hbm>> -> memref<32xf32, #tpu.memory_space<hbm>>
      tpu.wait_dma2 semaphore(%run_scoped3A : memref<!tpu.dma_semaphore, #tpu.memory_space<semaphore_mem>>) src(%arg9 : memref<32xf32, #tpu.memory_space<vmem>>) dst(%dma_wait3A_203 : memref<32xf32, #tpu.memory_space<hbm>>)
      tpu.yield
    }) : () -> ()
    %dma_wait3A = arith.constant 0 : i32
    %dma_wait3A_157 = arith.constant 0 : i32
    %dma_wait3A_158 = tpu.memref_slice %arg8[%dma_wait3A, %dma_wait3A_157] : memref<4x112xf32, #tpu.memory_space<vmem>> -> memref<1x112xf32, #tpu.memory_space<vmem>>
    %dma_wait3A_159 = tpu.memref_squeeze %dma_wait3A_158 : memref<1x112xf32, #tpu.memory_space<vmem>> -> memref<112xf32, #tpu.memory_space<vmem>>
    %dma_wait3A_160 = arith.constant 0 : i32
    %dma_wait3A_161 = tpu.memref_slice %arg4[%dma_wait3A_160] : memref<16384xf32, #tpu.memory_space<hbm>> -> memref<112xf32, #tpu.memory_space<hbm>>
    %dma_wait3A_162 = arith.constant 0 : i32
    %dma_wait3A_163 = tpu.memref_slice %arg4[%dma_wait3A_162] : memref<16384xf32, #tpu.memory_space<hbm>> -> memref<112xf32, #tpu.memory_space<hbm>>
    %dma_wait3A_164 = arith.constant 0 : i32
    %dma_wait3A_165 = tpu.memref_slice %arg8[%dma_wait3A, %dma_wait3A_164] : memref<4x112xf32, #tpu.memory_space<vmem>> -> memref<1x112xf32, #tpu.memory_space<vmem>>
    %dma_wait3A_166 = tpu.memref_squeeze %dma_wait3A_165 : memref<1x112xf32, #tpu.memory_space<vmem>> -> memref<112xf32, #tpu.memory_space<vmem>>
    tpu.wait_dma2 semaphore(%arg11 : memref<!tpu.dma_semaphore, #tpu.memory_space<semaphore_mem>>) src(%dma_wait3A_166 : memref<112xf32, #tpu.memory_space<vmem>>) dst(%dma_wait3A_163 : memref<112xf32, #tpu.memory_space<hbm>>)
    %dma_wait3A_167 = arith.constant 0 : i32
    %dma_wait3A_168 = arith.constant 0 : i32
    %dma_wait3A_169 = tpu.memref_slice %arg8[%dma_wait3A_167, %dma_wait3A_168] : memref<4x112xf32, #tpu.memory_space<vmem>> -> memref<1x112xf32, #tpu.memory_space<vmem>>
    %dma_wait3A_170 = tpu.memref_squeeze %dma_wait3A_169 : memref<1x112xf32, #tpu.memory_space<vmem>> -> memref<112xf32, #tpu.memory_space<vmem>>
    %dma_wait3A_171 = arith.constant 0 : i32
    %dma_wait3A_172 = tpu.memref_slice %arg4[%dma_wait3A_171] : memref<16384xf32, #tpu.memory_space<hbm>> -> memref<112xf32, #tpu.memory_space<hbm>>
    %dma_wait3A_173 = arith.constant 0 : i32
    %dma_wait3A_174 = tpu.memref_slice %arg4[%dma_wait3A_173] : memref<16384xf32, #tpu.memory_space<hbm>> -> memref<112xf32, #tpu.memory_space<hbm>>
    %dma_wait3A_175 = arith.constant 0 : i32
    %dma_wait3A_176 = tpu.memref_slice %arg8[%dma_wait3A_167, %dma_wait3A_175] : memref<4x112xf32, #tpu.memory_space<vmem>> -> memref<1x112xf32, #tpu.memory_space<vmem>>
    %dma_wait3A_177 = tpu.memref_squeeze %dma_wait3A_176 : memref<1x112xf32, #tpu.memory_space<vmem>> -> memref<112xf32, #tpu.memory_space<vmem>>
    tpu.wait_dma2 semaphore(%arg11 : memref<!tpu.dma_semaphore, #tpu.memory_space<semaphore_mem>>) src(%dma_wait3A_177 : memref<112xf32, #tpu.memory_space<vmem>>) dst(%dma_wait3A_174 : memref<112xf32, #tpu.memory_space<hbm>>)
    %dma_wait3A_178 = arith.constant 0 : i32
    %dma_wait3A_179 = arith.constant 0 : i32
    %dma_wait3A_180 = tpu.memref_slice %arg8[%dma_wait3A_178, %dma_wait3A_179] : memref<4x112xf32, #tpu.memory_space<vmem>> -> memref<1x112xf32, #tpu.memory_space<vmem>>
    %dma_wait3A_181 = tpu.memref_squeeze %dma_wait3A_180 : memref<1x112xf32, #tpu.memory_space<vmem>> -> memref<112xf32, #tpu.memory_space<vmem>>
    %dma_wait3A_182 = arith.constant 0 : i32
    %dma_wait3A_183 = tpu.memref_slice %arg4[%dma_wait3A_182] : memref<16384xf32, #tpu.memory_space<hbm>> -> memref<112xf32, #tpu.memory_space<hbm>>
    %dma_wait3A_184 = arith.constant 0 : i32
    %dma_wait3A_185 = tpu.memref_slice %arg4[%dma_wait3A_184] : memref<16384xf32, #tpu.memory_space<hbm>> -> memref<112xf32, #tpu.memory_space<hbm>>
    %dma_wait3A_186 = arith.constant 0 : i32
    %dma_wait3A_187 = tpu.memref_slice %arg8[%dma_wait3A_178, %dma_wait3A_186] : memref<4x112xf32, #tpu.memory_space<vmem>> -> memref<1x112xf32, #tpu.memory_space<vmem>>
    %dma_wait3A_188 = tpu.memref_squeeze %dma_wait3A_187 : memref<1x112xf32, #tpu.memory_space<vmem>> -> memref<112xf32, #tpu.memory_space<vmem>>
    tpu.wait_dma2 semaphore(%arg11 : memref<!tpu.dma_semaphore, #tpu.memory_space<semaphore_mem>>) src(%dma_wait3A_188 : memref<112xf32, #tpu.memory_space<vmem>>) dst(%dma_wait3A_185 : memref<112xf32, #tpu.memory_space<hbm>>)
    %dma_wait3A_189 = arith.constant 0 : i32
    %dma_wait3A_190 = arith.constant 0 : i32
    %dma_wait3A_191 = tpu.memref_slice %arg8[%dma_wait3A_189, %dma_wait3A_190] : memref<4x112xf32, #tpu.memory_space<vmem>> -> memref<1x112xf32, #tpu.memory_space<vmem>>
    %dma_wait3A_192 = tpu.memref_squeeze %dma_wait3A_191 : memref<1x112xf32, #tpu.memory_space<vmem>> -> memref<112xf32, #tpu.memory_space<vmem>>
    %dma_wait3A_193 = arith.constant 0 : i32
    %dma_wait3A_194 = tpu.memref_slice %arg4[%dma_wait3A_193] : memref<16384xf32, #tpu.memory_space<hbm>> -> memref<112xf32, #tpu.memory_space<hbm>>
    %dma_wait3A_195 = arith.constant 0 : i32
    %dma_wait3A_196 = tpu.memref_slice %arg4[%dma_wait3A_195] : memref<16384xf32, #tpu.memory_space<hbm>> -> memref<112xf32, #tpu.memory_space<hbm>>
    %dma_wait3A_197 = arith.constant 0 : i32
    %dma_wait3A_198 = tpu.memref_slice %arg8[%dma_wait3A_189, %dma_wait3A_197] : memref<4x112xf32, #tpu.memory_space<vmem>> -> memref<1x112xf32, #tpu.memory_space<vmem>>
    %dma_wait3A_199 = tpu.memref_squeeze %dma_wait3A_198 : memref<1x112xf32, #tpu.memory_space<vmem>> -> memref<112xf32, #tpu.memory_space<vmem>>
    tpu.wait_dma2 semaphore(%arg11 : memref<!tpu.dma_semaphore, #tpu.memory_space<semaphore_mem>>) src(%dma_wait3A_199 : memref<112xf32, #tpu.memory_space<vmem>>) dst(%dma_wait3A_196 : memref<112xf32, #tpu.memory_space<hbm>>)
    return
  }
}

module attributes {stable_mosaic.version = 14 : i64} {
  func.func @_tc_fin_body(%arg0: memref<2x114x112xf32, #tpu.memory_space<vmem>>, %arg1: memref<128x128xf32, #tpu.memory_space<vmem>>, %arg2: memref<8x128xf32, #tpu.memory_space<vmem>>, %arg3: memref<8x128xf32, #tpu.memory_space<vmem>>, %arg4: memref<12x114x112xf32, #tpu.memory_space<vmem>>) attributes {dimension_semantics = [], scalar_prefetch = 0 : i64, scratch_operands = 0 : i64, tpu.core_type = #tpu.core_type<tc>} {
    %get3A = arith.constant 0 : index
    %get3A_0 = arith.constant 0 : index
    %get3A_1 = vector.load %arg3[%get3A, %get3A_0] : memref<8x128xf32, #tpu.memory_space<vmem>>, vector<8x128xf32>
    %iota3A = tpu.iota {dimensions = array<i32: 1>} : vector<8x128xi32>
    %jit3A = arith.constant 32 : i32
    %eq3A = arith.constant 0 : i32
    %eq3A_2 = arith.cmpi eq, %jit3A, %eq3A : i32
    %jit3A_3 = arith.constant 1 : i32
    %select_n3A = arith.select %eq3A_2, %jit3A_3, %jit3A : i32
    %rem3A = vector.broadcast %select_n3A : i32 to vector<8x128xi32>
    %rem3A_4 = arith.remsi %iota3A, %rem3A : vector<8x128xi32>
    %ne3A = arith.constant 0 : i32
    %ne3A_5 = vector.broadcast %ne3A : i32 to vector<8x128xi32>
    %ne3A_6 = arith.cmpi ne, %rem3A_4, %ne3A_5 : vector<8x128xi32>
    %lt3A = arith.constant 0 : i32
    %lt3A_7 = vector.broadcast %lt3A : i32 to vector<8x128xi32>
    %lt3A_8 = arith.cmpi slt, %rem3A_4, %lt3A_7 : vector<8x128xi32>
    %lt3A_9 = arith.constant 0 : i32
    %lt3A_10 = arith.cmpi slt, %select_n3A, %lt3A_9 : i32
    %ne3A_11 = vector.broadcast %lt3A_10 : i1 to vector<8x128xi1>
    %ne3A_12 = vector.broadcast %ne3A_11 : vector<8x128xi1> to vector<8x128xi1>
    %ne3A_13 = arith.xori %lt3A_8, %ne3A_12 : vector<8x128xi1>
    %and3A = arith.andi %ne3A_13, %ne3A_6 : vector<8x128xi1>
    %add3A = vector.broadcast %select_n3A : i32 to vector<8x128xi32>
    %add3A_14 = arith.addi %rem3A_4, %add3A : vector<8x128xi32>
    %select_n3A_15 = arith.select %and3A, %add3A_14, %rem3A_4 : vector<8x128xi1>, vector<8x128xi32>
    %lt3A_16 = arith.constant 16 : i32
    %lt3A_17 = vector.broadcast %lt3A_16 : i32 to vector<8x128xi32>
    %lt3A_18 = arith.cmpi slt, %select_n3A_15, %lt3A_17 : vector<8x128xi32>
    %jit3A_19 = arith.constant 0.000000e+00 : f32
    %broadcast_in_dim3A = vector.broadcast %jit3A_19 : f32 to vector<8x128xf32>
    %select_n3A_20 = arith.select %lt3A_18, %get3A_1, %broadcast_in_dim3A : vector<8x128xi1>, vector<8x128xf32>
    %reduce_sum3A = vector.shape_cast %select_n3A_20 : vector<8x128xf32> to vector<1x8x128xf32>
    %reduce_sum3A_21 = arith.constant dense<0.000000e+00> : vector<1xf32>
    %reduce_sum3A_22 = vector.multi_reduction <add>, %reduce_sum3A, %reduce_sum3A_21 [1, 2] : vector<1x8x128xf32> to vector<1xf32>
    %reduce_sum3A_23 = vector.shape_cast %reduce_sum3A_22 : vector<1xf32> to vector<1x1x1xf32>
    %reduce_sum3A_24 = vector.extract %reduce_sum3A_23[0, 0, 0] : f32 from vector<1x1x1xf32>
    %get3A_25 = arith.constant 0 : index
    %get3A_26 = arith.constant 0 : index
    %get3A_27 = vector.load %arg2[%get3A_25, %get3A_26] : memref<8x128xf32, #tpu.memory_space<vmem>>, vector<1x1xf32>
    %get3A_28 = vector.extract %get3A_27[0, 0] : f32 from vector<1x1xf32>
    %add3A_29 = arith.addf %reduce_sum3A_24, %get3A_28 : f32
    %jit3A_30 = arith.constant 32 : i32
    %eq3A_31 = arith.constant 0 : i32
    %eq3A_32 = arith.cmpi eq, %jit3A_30, %eq3A_31 : i32
    %jit3A_33 = arith.constant 1 : i32
    %select_n3A_34 = arith.select %eq3A_32, %jit3A_33, %jit3A_30 : i32
    %rem3A_35 = vector.broadcast %select_n3A_34 : i32 to vector<8x128xi32>
    %rem3A_36 = arith.remsi %iota3A, %rem3A_35 : vector<8x128xi32>
    %ne3A_37 = arith.constant 0 : i32
    %ne3A_38 = vector.broadcast %ne3A_37 : i32 to vector<8x128xi32>
    %ne3A_39 = arith.cmpi ne, %rem3A_36, %ne3A_38 : vector<8x128xi32>
    %lt3A_40 = arith.constant 0 : i32
    %lt3A_41 = vector.broadcast %lt3A_40 : i32 to vector<8x128xi32>
    %lt3A_42 = arith.cmpi slt, %rem3A_36, %lt3A_41 : vector<8x128xi32>
    %lt3A_43 = arith.constant 0 : i32
    %lt3A_44 = arith.cmpi slt, %select_n3A_34, %lt3A_43 : i32
    %ne3A_45 = vector.broadcast %lt3A_44 : i1 to vector<8x128xi1>
    %ne3A_46 = vector.broadcast %ne3A_45 : vector<8x128xi1> to vector<8x128xi1>
    %ne3A_47 = arith.xori %lt3A_42, %ne3A_46 : vector<8x128xi1>
    %and3A_48 = arith.andi %ne3A_47, %ne3A_39 : vector<8x128xi1>
    %add3A_49 = vector.broadcast %select_n3A_34 : i32 to vector<8x128xi32>
    %add3A_50 = arith.addi %rem3A_36, %add3A_49 : vector<8x128xi32>
    %select_n3A_51 = arith.select %and3A_48, %add3A_50, %rem3A_36 : vector<8x128xi1>, vector<8x128xi32>
    %ge3A = arith.constant 16 : i32
    %ge3A_52 = vector.broadcast %ge3A : i32 to vector<8x128xi32>
    %ge3A_53 = arith.cmpi sge, %select_n3A_51, %ge3A_52 : vector<8x128xi32>
    %jit3A_54 = arith.constant 0.000000e+00 : f32
    %broadcast_in_dim3A_55 = vector.broadcast %jit3A_54 : f32 to vector<8x128xf32>
    %select_n3A_56 = arith.select %ge3A_53, %get3A_1, %broadcast_in_dim3A_55 : vector<8x128xi1>, vector<8x128xf32>
    %reduce_sum3A_57 = vector.shape_cast %select_n3A_56 : vector<8x128xf32> to vector<1x8x128xf32>
    %reduce_sum3A_58 = arith.constant dense<0.000000e+00> : vector<1xf32>
    %reduce_sum3A_59 = vector.multi_reduction <add>, %reduce_sum3A_57, %reduce_sum3A_58 [1, 2] : vector<1x8x128xf32> to vector<1xf32>
    %reduce_sum3A_60 = vector.shape_cast %reduce_sum3A_59 : vector<1xf32> to vector<1x1x1xf32>
    %reduce_sum3A_61 = vector.extract %reduce_sum3A_60[0, 0, 0] : f32 from vector<1x1x1xf32>
    %get3A_62 = arith.constant 0 : index
    %get3A_63 = arith.constant 1 : index
    %get3A_64 = vector.load %arg2[%get3A_62, %get3A_63] : memref<8x128xf32, #tpu.memory_space<vmem>>, vector<1x1xf32>
    %get3A_65 = vector.extract %get3A_64[0, 0] : f32 from vector<1x1xf32>
    %add3A_66 = arith.addf %reduce_sum3A_61, %get3A_65 : f32
    %div3A = arith.constant 7.004160e+05 : f32
    %div3A_67 = arith.divf %add3A_29, %div3A : f32
    %div3A_68 = arith.constant 7.004160e+05 : f32
    %div3A_69 = arith.divf %add3A_66, %div3A_68 : f32
    %mul3A = arith.mulf %div3A_67, %div3A_67 : f32
    %sub3A = arith.subf %div3A_69, %mul3A : f32
    %sqrt3A = math.sqrt %sub3A : f32
    %get3A_70 = arith.constant 0 : index
    %get3A_71 = arith.constant 0 : index
    %get3A_72 = vector.load %arg1[%get3A_70, %get3A_71] : memref<128x128xf32, #tpu.memory_space<vmem>>, vector<4x112xf32>
    %get3A_73 = arith.constant 4 : index
    %get3A_74 = arith.constant 0 : index
    %get3A_75 = vector.load %arg1[%get3A_73, %get3A_74] : memref<128x128xf32, #tpu.memory_space<vmem>>, vector<4x112xf32>
    %get3A_76 = arith.constant 8 : index
    %get3A_77 = arith.constant 0 : index
    %get3A_78 = vector.load %arg1[%get3A_76, %get3A_77] : memref<128x128xf32, #tpu.memory_space<vmem>>, vector<4x112xf32>
    %get3A_79 = arith.constant 12 : index
    %get3A_80 = arith.constant 0 : index
    %get3A_81 = vector.load %arg1[%get3A_79, %get3A_80] : memref<128x128xf32, #tpu.memory_space<vmem>>, vector<4x112xf32>
    %get3A_82 = arith.constant 16 : index
    %get3A_83 = arith.constant 0 : index
    %get3A_84 = vector.load %arg1[%get3A_82, %get3A_83] : memref<128x128xf32, #tpu.memory_space<vmem>>, vector<4x112xf32>
    %get3A_85 = arith.constant 20 : index
    %get3A_86 = arith.constant 0 : index
    %get3A_87 = vector.load %arg1[%get3A_85, %get3A_86] : memref<128x128xf32, #tpu.memory_space<vmem>>, vector<4x112xf32>
    %get3A_88 = arith.constant 24 : index
    %get3A_89 = arith.constant 0 : index
    %get3A_90 = vector.load %arg1[%get3A_88, %get3A_89] : memref<128x128xf32, #tpu.memory_space<vmem>>, vector<4x112xf32>
    %get3A_91 = arith.constant 28 : index
    %get3A_92 = arith.constant 0 : index
    %get3A_93 = vector.load %arg1[%get3A_91, %get3A_92] : memref<128x128xf32, #tpu.memory_space<vmem>>, vector<4x112xf32>
    %get3A_94 = arith.constant 32 : index
    %get3A_95 = arith.constant 0 : index
    %get3A_96 = vector.load %arg1[%get3A_94, %get3A_95] : memref<128x128xf32, #tpu.memory_space<vmem>>, vector<4x112xf32>
    %get3A_97 = arith.constant 36 : index
    %get3A_98 = arith.constant 0 : index
    %get3A_99 = vector.load %arg1[%get3A_97, %get3A_98] : memref<128x128xf32, #tpu.memory_space<vmem>>, vector<4x112xf32>
    %get3A_100 = arith.constant 40 : index
    %get3A_101 = arith.constant 0 : index
    %get3A_102 = vector.load %arg1[%get3A_100, %get3A_101] : memref<128x128xf32, #tpu.memory_space<vmem>>, vector<4x112xf32>
    %get3A_103 = arith.constant 44 : index
    %get3A_104 = arith.constant 0 : index
    %get3A_105 = vector.load %arg1[%get3A_103, %get3A_104] : memref<128x128xf32, #tpu.memory_space<vmem>>, vector<4x112xf32>
    %get3A_106 = arith.constant 48 : index
    %get3A_107 = arith.constant 0 : index
    %get3A_108 = vector.load %arg1[%get3A_106, %get3A_107] : memref<128x128xf32, #tpu.memory_space<vmem>>, vector<4x112xf32>
    %get3A_109 = arith.constant 52 : index
    %get3A_110 = arith.constant 0 : index
    %get3A_111 = vector.load %arg1[%get3A_109, %get3A_110] : memref<128x128xf32, #tpu.memory_space<vmem>>, vector<4x112xf32>
    %get3A_112 = arith.constant 56 : index
    %get3A_113 = arith.constant 0 : index
    %get3A_114 = vector.load %arg1[%get3A_112, %get3A_113] : memref<128x128xf32, #tpu.memory_space<vmem>>, vector<4x112xf32>
    %get3A_115 = arith.constant 60 : index
    %get3A_116 = arith.constant 0 : index
    %get3A_117 = vector.load %arg1[%get3A_115, %get3A_116] : memref<128x128xf32, #tpu.memory_space<vmem>>, vector<4x112xf32>
    %get3A_118 = arith.constant 64 : index
    %get3A_119 = arith.constant 0 : index
    %get3A_120 = vector.load %arg1[%get3A_118, %get3A_119] : memref<128x128xf32, #tpu.memory_space<vmem>>, vector<4x112xf32>
    %get3A_121 = arith.constant 68 : index
    %get3A_122 = arith.constant 0 : index
    %get3A_123 = vector.load %arg1[%get3A_121, %get3A_122] : memref<128x128xf32, #tpu.memory_space<vmem>>, vector<4x112xf32>
    %get3A_124 = arith.constant 72 : index
    %get3A_125 = arith.constant 0 : index
    %get3A_126 = vector.load %arg1[%get3A_124, %get3A_125] : memref<128x128xf32, #tpu.memory_space<vmem>>, vector<4x112xf32>
    %get3A_127 = arith.constant 76 : index
    %get3A_128 = arith.constant 0 : index
    %get3A_129 = vector.load %arg1[%get3A_127, %get3A_128] : memref<128x128xf32, #tpu.memory_space<vmem>>, vector<4x112xf32>
    %get3A_130 = arith.constant 80 : index
    %get3A_131 = arith.constant 0 : index
    %get3A_132 = vector.load %arg1[%get3A_130, %get3A_131] : memref<128x128xf32, #tpu.memory_space<vmem>>, vector<4x112xf32>
    %get3A_133 = arith.constant 84 : index
    %get3A_134 = arith.constant 0 : index
    %get3A_135 = vector.load %arg1[%get3A_133, %get3A_134] : memref<128x128xf32, #tpu.memory_space<vmem>>, vector<4x112xf32>
    %get3A_136 = arith.constant 88 : index
    %get3A_137 = arith.constant 0 : index
    %get3A_138 = vector.load %arg1[%get3A_136, %get3A_137] : memref<128x128xf32, #tpu.memory_space<vmem>>, vector<4x112xf32>
    %get3A_139 = arith.constant 92 : index
    %get3A_140 = arith.constant 0 : index
    %get3A_141 = vector.load %arg1[%get3A_139, %get3A_140] : memref<128x128xf32, #tpu.memory_space<vmem>>, vector<4x112xf32>
    %get3A_142 = arith.constant 96 : index
    %get3A_143 = arith.constant 0 : index
    %get3A_144 = vector.load %arg1[%get3A_142, %get3A_143] : memref<128x128xf32, #tpu.memory_space<vmem>>, vector<4x112xf32>
    %get3A_145 = arith.constant 100 : index
    %get3A_146 = arith.constant 0 : index
    %get3A_147 = vector.load %arg1[%get3A_145, %get3A_146] : memref<128x128xf32, #tpu.memory_space<vmem>>, vector<4x112xf32>
    %get3A_148 = arith.constant 104 : index
    %get3A_149 = arith.constant 0 : index
    %get3A_150 = vector.load %arg1[%get3A_148, %get3A_149] : memref<128x128xf32, #tpu.memory_space<vmem>>, vector<4x112xf32>
    %get3A_151 = arith.constant 108 : index
    %get3A_152 = arith.constant 0 : index
    %get3A_153 = vector.load %arg1[%get3A_151, %get3A_152] : memref<128x128xf32, #tpu.memory_space<vmem>>, vector<4x112xf32>
    %get3A_154 = arith.constant 112 : index
    %get3A_155 = arith.constant 0 : index
    %get3A_156 = vector.load %arg1[%get3A_154, %get3A_155] : memref<128x128xf32, #tpu.memory_space<vmem>>, vector<2x112xf32>
    %concatenate3A = tpu.concatenate %get3A_72, %get3A_75, %get3A_78, %get3A_81, %get3A_84, %get3A_87, %get3A_90, %get3A_93, %get3A_96, %get3A_99, %get3A_102, %get3A_105, %get3A_108, %get3A_111, %get3A_114, %get3A_117, %get3A_120, %get3A_123, %get3A_126, %get3A_129, %get3A_132, %get3A_135, %get3A_138, %get3A_141, %get3A_144, %get3A_147, %get3A_150, %get3A_153, %get3A_156 in 0 : vector<4x112xf32>, vector<4x112xf32>, vector<4x112xf32>, vector<4x112xf32>, vector<4x112xf32>, vector<4x112xf32>, vector<4x112xf32>, vector<4x112xf32>, vector<4x112xf32>, vector<4x112xf32>, vector<4x112xf32>, vector<4x112xf32>, vector<4x112xf32>, vector<4x112xf32>, vector<4x112xf32>, vector<4x112xf32>, vector<4x112xf32>, vector<4x112xf32>, vector<4x112xf32>, vector<4x112xf32>, vector<4x112xf32>, vector<4x112xf32>, vector<4x112xf32>, vector<4x112xf32>, vector<4x112xf32>, vector<4x112xf32>, vector<4x112xf32>, vector<4x112xf32>, vector<2x112xf32> -> vector<114x112xf32>
    %get3A_157 = arith.constant 0 : index
    %get3A_158 = arith.constant 0 : index
    %get3A_159 = arith.constant 0 : index
    %get3A_160 = vector.load %arg0[%get3A_157, %get3A_158, %get3A_159] : memref<2x114x112xf32, #tpu.memory_space<vmem>>, vector<1x114x112xf32>
    %get3A_161 = vector.shape_cast %get3A_160 : vector<1x114x112xf32> to vector<114x112xf32>
    %get3A_162 = arith.constant 1 : index
    %get3A_163 = arith.constant 0 : index
    %get3A_164 = arith.constant 0 : index
    %get3A_165 = vector.load %arg0[%get3A_162, %get3A_163, %get3A_164] : memref<2x114x112xf32, #tpu.memory_space<vmem>>, vector<1x114x112xf32>
    %get3A_166 = vector.shape_cast %get3A_165 : vector<1x114x112xf32> to vector<114x112xf32>
    %sub3A_167 = vector.broadcast %div3A_67 : f32 to vector<114x112xf32>
    %sub3A_168 = arith.subf %get3A_161, %sub3A_167 : vector<114x112xf32>
    %div3A_169 = vector.broadcast %sqrt3A : f32 to vector<114x112xf32>
    %div3A_170 = arith.divf %sub3A_168, %div3A_169 : vector<114x112xf32>
    %swap3A = arith.constant 0 : index
    %swap3A_171 = arith.constant 0 : index
    %swap3A_172 = arith.constant 0 : index
    %swap3A_173 = vector.load %arg4[%swap3A, %swap3A_171, %swap3A_172] : memref<12x114x112xf32, #tpu.memory_space<vmem>>, vector<1x114x112xf32>
    %swap3A_174 = vector.shape_cast %swap3A_173 : vector<1x114x112xf32> to vector<114x112xf32>
    %swap3A_175 = vector.shape_cast %div3A_170 : vector<114x112xf32> to vector<1x114x112xf32>
    tpu.vector_store %arg4[%swap3A, %swap3A_171, %swap3A_172], %swap3A_175 {strides = array<i32>} : memref<12x114x112xf32, #tpu.memory_space<vmem>>, vector<1x114x112xf32>,
    %eq3A_176 = arith.constant 0.000000e+00 : f32
    %eq3A_177 = vector.broadcast %eq3A_176 : f32 to vector<114x112xf32>
    %eq3A_178 = arith.cmpf oeq, %div3A_170, %eq3A_177 : vector<114x112xf32>
    %jit3A_179 = arith.constant 1.000000e+00 : f32
    %jit3A_180 = arith.constant 0.000000e+00 : f32
    %broadcast_in_dim3A_181 = vector.broadcast %jit3A_179 : f32 to vector<114x112xf32>
    %broadcast_in_dim3A_182 = vector.broadcast %jit3A_180 : f32 to vector<114x112xf32>
    %select_n3A_183 = arith.select %eq3A_178, %broadcast_in_dim3A_181, %broadcast_in_dim3A_182 : vector<114x112xi1>, vector<114x112xf32>
    %sub3A_184 = vector.broadcast %div3A_67 : f32 to vector<114x112xf32>
    %sub3A_185 = arith.subf %get3A_166, %sub3A_184 : vector<114x112xf32>
    %div3A_186 = vector.broadcast %sqrt3A : f32 to vector<114x112xf32>
    %div3A_187 = arith.divf %sub3A_185, %div3A_186 : vector<114x112xf32>
    %swap3A_188 = arith.constant 1 : index
    %swap3A_189 = arith.constant 0 : index
    %swap3A_190 = arith.constant 0 : index
    %swap3A_191 = vector.load %arg4[%swap3A_188, %swap3A_189, %swap3A_190] : memref<12x114x112xf32, #tpu.memory_space<vmem>>, vector<1x114x112xf32>
    %swap3A_192 = vector.shape_cast %swap3A_191 : vector<1x114x112xf32> to vector<114x112xf32>
    %swap3A_193 = vector.shape_cast %div3A_187 : vector<114x112xf32> to vector<1x114x112xf32>
    tpu.vector_store %arg4[%swap3A_188, %swap3A_189, %swap3A_190], %swap3A_193 {strides = array<i32>} : memref<12x114x112xf32, #tpu.memory_space<vmem>>, vector<1x114x112xf32>,
    %sub3A_194 = vector.broadcast %div3A_67 : f32 to vector<114x112xf32>
    %sub3A_195 = arith.subf %concatenate3A, %sub3A_194 : vector<114x112xf32>
    %div3A_196 = vector.broadcast %sqrt3A : f32 to vector<114x112xf32>
    %div3A_197 = arith.divf %sub3A_195, %div3A_196 : vector<114x112xf32>
    %swap3A_198 = arith.constant 2 : index
    %swap3A_199 = arith.constant 0 : index
    %swap3A_200 = arith.constant 0 : index
    %swap3A_201 = vector.load %arg4[%swap3A_198, %swap3A_199, %swap3A_200] : memref<12x114x112xf32, #tpu.memory_space<vmem>>, vector<1x114x112xf32>
    %swap3A_202 = vector.shape_cast %swap3A_201 : vector<1x114x112xf32> to vector<114x112xf32>
    %swap3A_203 = vector.shape_cast %div3A_197 : vector<114x112xf32> to vector<1x114x112xf32>
    tpu.vector_store %arg4[%swap3A_198, %swap3A_199, %swap3A_200], %swap3A_203 {strides = array<i32>} : memref<12x114x112xf32, #tpu.memory_space<vmem>>, vector<1x114x112xf32>,
    %get3A_204 = arith.constant 0 : index
    %get3A_205 = arith.constant 0 : index
    %get3A_206 = arith.constant 0 : index
    %get3A_207 = vector.load %arg4[%get3A_204, %get3A_205, %get3A_206] : memref<12x114x112xf32, #tpu.memory_space<vmem>>, vector<1x114x112xf32>
    %get3A_208 = vector.shape_cast %get3A_207 : vector<1x114x112xf32> to vector<114x112xf32>
    %slice3A = vector.extract_strided_slice %get3A_208 {offsets = [0, 0], sizes = [114, 48], strides = [1, 1]} : vector<114x112xf32> to vector<114x48xf32>
    %slice3A_209 = vector.extract_strided_slice %slice3A {offsets = [0, 1], sizes = [114, 47], strides = [1, 1]} : vector<114x48xf32> to vector<114x47xf32>
    %slice3A_210 = vector.extract_strided_slice %slice3A {offsets = [0, 0], sizes = [114, 47], strides = [1, 1]} : vector<114x48xf32> to vector<114x47xf32>
    %sub3A_211 = arith.subf %slice3A_209, %slice3A_210 : vector<114x47xf32>
    %broadcast_in_dim3A_212 = arith.constant 0.000000e+00 : f32
    %broadcast_in_dim3A_213 = vector.broadcast %broadcast_in_dim3A_212 : f32 to vector<114x1xf32>
    %concatenate3A_214 = tpu.concatenate %broadcast_in_dim3A_213, %sub3A_211 in 1 : vector<114x1xf32>, vector<114x47xf32> -> vector<114x48xf32>
    %concatenate3A_215 = tpu.concatenate %sub3A_211, %broadcast_in_dim3A_213 in 1 : vector<114x47xf32>, vector<114x1xf32> -> vector<114x48xf32>
    %add3A_216 = arith.addf %concatenate3A_214, %concatenate3A_215 : vector<114x48xf32>
    %mul3A_217 = arith.constant 5.000000e-01 : f32
    %mul3A_218 = vector.broadcast %mul3A_217 : f32 to vector<114x48xf32>
    %mul3A_219 = arith.mulf %add3A_216, %mul3A_218 : vector<114x48xf32>
    %slice3A_220 = vector.extract_strided_slice %select_n3A_183 {offsets = [0, 0], sizes = [114, 48], strides = [1, 1]} : vector<114x112xf32> to vector<114x48xf32>
    %slice3A_221 = vector.extract_strided_slice %slice3A_220 {offsets = [0, 0], sizes = [114, 47], strides = [1, 1]} : vector<114x48xf32> to vector<114x47xf32>
    %concatenate3A_222 = tpu.concatenate %broadcast_in_dim3A_213, %slice3A_221 in 1 : vector<114x1xf32>, vector<114x47xf32> -> vector<114x48xf32>
    %slice3A_223 = vector.extract_strided_slice %slice3A_220 {offsets = [0, 1], sizes = [114, 47], strides = [1, 1]} : vector<114x48xf32> to vector<114x47xf32>
    %concatenate3A_224 = tpu.concatenate %slice3A_223, %broadcast_in_dim3A_213 in 1 : vector<114x47xf32>, vector<114x1xf32> -> vector<114x48xf32>
    %max3A = arith.maximumf %concatenate3A_222, %concatenate3A_224 : vector<114x48xf32>
    %max3A_225 = arith.maximumf %slice3A_220, %max3A : vector<114x48xf32>
    %gt3A = arith.constant 0.000000e+00 : f32
    %gt3A_226 = vector.broadcast %gt3A : f32 to vector<114x48xf32>
    %gt3A_227 = arith.cmpf ogt, %max3A_225, %gt3A_226 : vector<114x48xf32>
    %jit3A_228 = arith.constant 0.000000e+00 : f32
    %broadcast_in_dim3A_229 = vector.broadcast %jit3A_228 : f32 to vector<114x48xf32>
    %select_n3A_230 = arith.select %gt3A_227, %broadcast_in_dim3A_229, %concatenate3A_214 : vector<114x48xi1>, vector<114x48xf32>
    %swap3A_231 = arith.constant 3 : index
    %swap3A_232 = arith.constant 0 : index
    %swap3A_233 = arith.constant 0 : index
    %swap3A_234 = vector.load %arg4[%swap3A_231, %swap3A_232, %swap3A_233] : memref<12x114x112xf32, #tpu.memory_space<vmem>>, vector<1x114x48xf32>
    %swap3A_235 = vector.shape_cast %swap3A_234 : vector<1x114x48xf32> to vector<114x48xf32>
    %swap3A_236 = vector.shape_cast %select_n3A_230 : vector<114x48xf32> to vector<1x114x48xf32>
    tpu.vector_store %arg4[%swap3A_231, %swap3A_232, %swap3A_233], %swap3A_236 {strides = array<i32>} : memref<12x114x112xf32, #tpu.memory_space<vmem>>, vector<1x114x48xf32>,
    %jit3A_237 = arith.constant 0.000000e+00 : f32
    %broadcast_in_dim3A_238 = vector.broadcast %jit3A_237 : f32 to vector<114x48xf32>
    %select_n3A_239 = arith.select %gt3A_227, %broadcast_in_dim3A_238, %concatenate3A_215 : vector<114x48xi1>, vector<114x48xf32>
    %swap3A_240 = arith.constant 6 : index
    %swap3A_241 = arith.constant 0 : index
    %swap3A_242 = arith.constant 0 : index
    %swap3A_243 = vector.load %arg4[%swap3A_240, %swap3A_241, %swap3A_242] : memref<12x114x112xf32, #tpu.memory_space<vmem>>, vector<1x114x48xf32>
    %swap3A_244 = vector.shape_cast %swap3A_243 : vector<1x114x48xf32> to vector<114x48xf32>
    %swap3A_245 = vector.shape_cast %select_n3A_239 : vector<114x48xf32> to vector<1x114x48xf32>
    tpu.vector_store %arg4[%swap3A_240, %swap3A_241, %swap3A_242], %swap3A_245 {strides = array<i32>} : memref<12x114x112xf32, #tpu.memory_space<vmem>>, vector<1x114x48xf32>,
    %jit3A_246 = arith.constant 0.000000e+00 : f32
    %broadcast_in_dim3A_247 = vector.broadcast %jit3A_246 : f32 to vector<114x48xf32>
    %select_n3A_248 = arith.select %gt3A_227, %broadcast_in_dim3A_247, %mul3A_219 : vector<114x48xi1>, vector<114x48xf32>
    %swap3A_249 = arith.constant 9 : index
    %swap3A_250 = arith.constant 0 : index
    %swap3A_251 = arith.constant 0 : index
    %swap3A_252 = vector.load %arg4[%swap3A_249, %swap3A_250, %swap3A_251] : memref<12x114x112xf32, #tpu.memory_space<vmem>>, vector<1x114x48xf32>
    %swap3A_253 = vector.shape_cast %swap3A_252 : vector<1x114x48xf32> to vector<114x48xf32>
    %swap3A_254 = vector.shape_cast %select_n3A_248 : vector<114x48xf32> to vector<1x114x48xf32>
    tpu.vector_store %arg4[%swap3A_249, %swap3A_250, %swap3A_251], %swap3A_254 {strides = array<i32>} : memref<12x114x112xf32, #tpu.memory_space<vmem>>, vector<1x114x48xf32>,
    %slice3A_255 = vector.extract_strided_slice %get3A_208 {offsets = [0, 48], sizes = [114, 64], strides = [1, 1]} : vector<114x112xf32> to vector<114x64xf32>
    %slice3A_256 = vector.extract_strided_slice %slice3A_255 {offsets = [0, 1], sizes = [114, 63], strides = [1, 1]} : vector<114x64xf32> to vector<114x63xf32>
    %slice3A_257 = vector.extract_strided_slice %slice3A_255 {offsets = [0, 0], sizes = [114, 63], strides = [1, 1]} : vector<114x64xf32> to vector<114x63xf32>
    %sub3A_258 = arith.subf %slice3A_256, %slice3A_257 : vector<114x63xf32>
    %broadcast_in_dim3A_259 = arith.constant 0.000000e+00 : f32
    %broadcast_in_dim3A_260 = vector.broadcast %broadcast_in_dim3A_259 : f32 to vector<114x1xf32>
    %concatenate3A_261 = tpu.concatenate %broadcast_in_dim3A_260, %sub3A_258 in 1 : vector<114x1xf32>, vector<114x63xf32> -> vector<114x64xf32>
    %concatenate3A_262 = tpu.concatenate %sub3A_258, %broadcast_in_dim3A_260 in 1 : vector<114x63xf32>, vector<114x1xf32> -> vector<114x64xf32>
    %add3A_263 = arith.addf %concatenate3A_261, %concatenate3A_262 : vector<114x64xf32>
    %mul3A_264 = arith.constant 5.000000e-01 : f32
    %mul3A_265 = vector.broadcast %mul3A_264 : f32 to vector<114x64xf32>
    %mul3A_266 = arith.mulf %add3A_263, %mul3A_265 : vector<114x64xf32>
    %slice3A_267 = vector.extract_strided_slice %select_n3A_183 {offsets = [0, 48], sizes = [114, 64], strides = [1, 1]} : vector<114x112xf32> to vector<114x64xf32>
    %slice3A_268 = vector.extract_strided_slice %slice3A_267 {offsets = [0, 0], sizes = [114, 63], strides = [1, 1]} : vector<114x64xf32> to vector<114x63xf32>
    %concatenate3A_269 = tpu.concatenate %broadcast_in_dim3A_260, %slice3A_268 in 1 : vector<114x1xf32>, vector<114x63xf32> -> vector<114x64xf32>
    %slice3A_270 = vector.extract_strided_slice %slice3A_267 {offsets = [0, 1], sizes = [114, 63], strides = [1, 1]} : vector<114x64xf32> to vector<114x63xf32>
    %concatenate3A_271 = tpu.concatenate %slice3A_270, %broadcast_in_dim3A_260 in 1 : vector<114x63xf32>, vector<114x1xf32> -> vector<114x64xf32>
    %max3A_272 = arith.maximumf %concatenate3A_269, %concatenate3A_271 : vector<114x64xf32>
    %max3A_273 = arith.maximumf %slice3A_267, %max3A_272 : vector<114x64xf32>
    %gt3A_274 = arith.constant 0.000000e+00 : f32
    %gt3A_275 = vector.broadcast %gt3A_274 : f32 to vector<114x64xf32>
    %gt3A_276 = arith.cmpf ogt, %max3A_273, %gt3A_275 : vector<114x64xf32>
    %jit3A_277 = arith.constant 0.000000e+00 : f32
    %broadcast_in_dim3A_278 = vector.broadcast %jit3A_277 : f32 to vector<114x64xf32>
    %select_n3A_279 = arith.select %gt3A_276, %broadcast_in_dim3A_278, %concatenate3A_261 : vector<114x64xi1>, vector<114x64xf32>
    %swap3A_280 = arith.constant 3 : index
    %swap3A_281 = arith.constant 0 : index
    %swap3A_282 = arith.constant 48 : index
    %swap3A_283 = vector.load %arg4[%swap3A_280, %swap3A_281, %swap3A_282] : memref<12x114x112xf32, #tpu.memory_space<vmem>>, vector<1x114x64xf32>
    %swap3A_284 = vector.shape_cast %swap3A_283 : vector<1x114x64xf32> to vector<114x64xf32>
    %swap3A_285 = vector.shape_cast %select_n3A_279 : vector<114x64xf32> to vector<1x114x64xf32>
    tpu.vector_store %arg4[%swap3A_280, %swap3A_281, %swap3A_282], %swap3A_285 {strides = array<i32>} : memref<12x114x112xf32, #tpu.memory_space<vmem>>, vector<1x114x64xf32>,
    %jit3A_286 = arith.constant 0.000000e+00 : f32
    %broadcast_in_dim3A_287 = vector.broadcast %jit3A_286 : f32 to vector<114x64xf32>
    %select_n3A_288 = arith.select %gt3A_276, %broadcast_in_dim3A_287, %concatenate3A_262 : vector<114x64xi1>, vector<114x64xf32>
    %swap3A_289 = arith.constant 6 : index
    %swap3A_290 = arith.constant 0 : index
    %swap3A_291 = arith.constant 48 : index
    %swap3A_292 = vector.load %arg4[%swap3A_289, %swap3A_290, %swap3A_291] : memref<12x114x112xf32, #tpu.memory_space<vmem>>, vector<1x114x64xf32>
    %swap3A_293 = vector.shape_cast %swap3A_292 : vector<1x114x64xf32> to vector<114x64xf32>
    %swap3A_294 = vector.shape_cast %select_n3A_288 : vector<114x64xf32> to vector<1x114x64xf32>
    tpu.vector_store %arg4[%swap3A_289, %swap3A_290, %swap3A_291], %swap3A_294 {strides = array<i32>} : memref<12x114x112xf32, #tpu.memory_space<vmem>>, vector<1x114x64xf32>,
    %jit3A_295 = arith.constant 0.000000e+00 : f32
    %broadcast_in_dim3A_296 = vector.broadcast %jit3A_295 : f32 to vector<114x64xf32>
    %select_n3A_297 = arith.select %gt3A_276, %broadcast_in_dim3A_296, %mul3A_266 : vector<114x64xi1>, vector<114x64xf32>
    %swap3A_298 = arith.constant 9 : index
    %swap3A_299 = arith.constant 0 : index
    %swap3A_300 = arith.constant 48 : index
    %swap3A_301 = vector.load %arg4[%swap3A_298, %swap3A_299, %swap3A_300] : memref<12x114x112xf32, #tpu.memory_space<vmem>>, vector<1x114x64xf32>
    %swap3A_302 = vector.shape_cast %swap3A_301 : vector<1x114x64xf32> to vector<114x64xf32>
    %swap3A_303 = vector.shape_cast %select_n3A_297 : vector<114x64xf32> to vector<1x114x64xf32>
    tpu.vector_store %arg4[%swap3A_298, %swap3A_299, %swap3A_300], %swap3A_303 {strides = array<i32>} : memref<12x114x112xf32, #tpu.memory_space<vmem>>, vector<1x114x64xf32>,
    %get3A_304 = arith.constant 1 : index
    %get3A_305 = arith.constant 0 : index
    %get3A_306 = arith.constant 0 : index
    %get3A_307 = vector.load %arg4[%get3A_304, %get3A_305, %get3A_306] : memref<12x114x112xf32, #tpu.memory_space<vmem>>, vector<1x114x112xf32>
    %get3A_308 = vector.shape_cast %get3A_307 : vector<1x114x112xf32> to vector<114x112xf32>
    %slice3A_309 = vector.extract_strided_slice %get3A_308 {offsets = [0, 0], sizes = [114, 48], strides = [1, 1]} : vector<114x112xf32> to vector<114x48xf32>
    %slice3A_310 = vector.extract_strided_slice %slice3A_309 {offsets = [0, 1], sizes = [114, 47], strides = [1, 1]} : vector<114x48xf32> to vector<114x47xf32>
    %slice3A_311 = vector.extract_strided_slice %slice3A_309 {offsets = [0, 0], sizes = [114, 47], strides = [1, 1]} : vector<114x48xf32> to vector<114x47xf32>
    %sub3A_312 = arith.subf %slice3A_310, %slice3A_311 : vector<114x47xf32>
    %broadcast_in_dim3A_313 = arith.constant 0.000000e+00 : f32
    %broadcast_in_dim3A_314 = vector.broadcast %broadcast_in_dim3A_313 : f32 to vector<114x1xf32>
    %concatenate3A_315 = tpu.concatenate %broadcast_in_dim3A_314, %sub3A_312 in 1 : vector<114x1xf32>, vector<114x47xf32> -> vector<114x48xf32>
    %concatenate3A_316 = tpu.concatenate %sub3A_312, %broadcast_in_dim3A_314 in 1 : vector<114x47xf32>, vector<114x1xf32> -> vector<114x48xf32>
    %add3A_317 = arith.addf %concatenate3A_315, %concatenate3A_316 : vector<114x48xf32>
    %mul3A_318 = arith.constant 5.000000e-01 : f32
    %mul3A_319 = vector.broadcast %mul3A_318 : f32 to vector<114x48xf32>
    %mul3A_320 = arith.mulf %add3A_317, %mul3A_319 : vector<114x48xf32>
    %slice3A_321 = vector.extract_strided_slice %select_n3A_183 {offsets = [0, 0], sizes = [114, 48], strides = [1, 1]} : vector<114x112xf32> to vector<114x48xf32>
    %slice3A_322 = vector.extract_strided_slice %slice3A_321 {offsets = [0, 0], sizes = [114, 47], strides = [1, 1]} : vector<114x48xf32> to vector<114x47xf32>
    %concatenate3A_323 = tpu.concatenate %broadcast_in_dim3A_314, %slice3A_322 in 1 : vector<114x1xf32>, vector<114x47xf32> -> vector<114x48xf32>
    %slice3A_324 = vector.extract_strided_slice %slice3A_321 {offsets = [0, 1], sizes = [114, 47], strides = [1, 1]} : vector<114x48xf32> to vector<114x47xf32>
    %concatenate3A_325 = tpu.concatenate %slice3A_324, %broadcast_in_dim3A_314 in 1 : vector<114x47xf32>, vector<114x1xf32> -> vector<114x48xf32>
    %max3A_326 = arith.maximumf %concatenate3A_323, %concatenate3A_325 : vector<114x48xf32>
    %max3A_327 = arith.maximumf %slice3A_321, %max3A_326 : vector<114x48xf32>
    %gt3A_328 = arith.constant 0.000000e+00 : f32
    %gt3A_329 = vector.broadcast %gt3A_328 : f32 to vector<114x48xf32>
    %gt3A_330 = arith.cmpf ogt, %max3A_327, %gt3A_329 : vector<114x48xf32>
    %jit3A_331 = arith.constant 0.000000e+00 : f32
    %broadcast_in_dim3A_332 = vector.broadcast %jit3A_331 : f32 to vector<114x48xf32>
    %select_n3A_333 = arith.select %gt3A_330, %broadcast_in_dim3A_332, %concatenate3A_315 : vector<114x48xi1>, vector<114x48xf32>
    %swap3A_334 = arith.constant 4 : index
    %swap3A_335 = arith.constant 0 : index
    %swap3A_336 = arith.constant 0 : index
    %swap3A_337 = vector.load %arg4[%swap3A_334, %swap3A_335, %swap3A_336] : memref<12x114x112xf32, #tpu.memory_space<vmem>>, vector<1x114x48xf32>
    %swap3A_338 = vector.shape_cast %swap3A_337 : vector<1x114x48xf32> to vector<114x48xf32>
    %swap3A_339 = vector.shape_cast %select_n3A_333 : vector<114x48xf32> to vector<1x114x48xf32>
    tpu.vector_store %arg4[%swap3A_334, %swap3A_335, %swap3A_336], %swap3A_339 {strides = array<i32>} : memref<12x114x112xf32, #tpu.memory_space<vmem>>, vector<1x114x48xf32>,
    %jit3A_340 = arith.constant 0.000000e+00 : f32
    %broadcast_in_dim3A_341 = vector.broadcast %jit3A_340 : f32 to vector<114x48xf32>
    %select_n3A_342 = arith.select %gt3A_330, %broadcast_in_dim3A_341, %concatenate3A_316 : vector<114x48xi1>, vector<114x48xf32>
    %swap3A_343 = arith.constant 7 : index
    %swap3A_344 = arith.constant 0 : index
    %swap3A_345 = arith.constant 0 : index
    %swap3A_346 = vector.load %arg4[%swap3A_343, %swap3A_344, %swap3A_345] : memref<12x114x112xf32, #tpu.memory_space<vmem>>, vector<1x114x48xf32>
    %swap3A_347 = vector.shape_cast %swap3A_346 : vector<1x114x48xf32> to vector<114x48xf32>
    %swap3A_348 = vector.shape_cast %select_n3A_342 : vector<114x48xf32> to vector<1x114x48xf32>
    tpu.vector_store %arg4[%swap3A_343, %swap3A_344, %swap3A_345], %swap3A_348 {strides = array<i32>} : memref<12x114x112xf32, #tpu.memory_space<vmem>>, vector<1x114x48xf32>,
    %jit3A_349 = arith.constant 0.000000e+00 : f32
    %broadcast_in_dim3A_350 = vector.broadcast %jit3A_349 : f32 to vector<114x48xf32>
    %select_n3A_351 = arith.select %gt3A_330, %broadcast_in_dim3A_350, %mul3A_320 : vector<114x48xi1>, vector<114x48xf32>
    %swap3A_352 = arith.constant 10 : index
    %swap3A_353 = arith.constant 0 : index
    %swap3A_354 = arith.constant 0 : index
    %swap3A_355 = vector.load %arg4[%swap3A_352, %swap3A_353, %swap3A_354] : memref<12x114x112xf32, #tpu.memory_space<vmem>>, vector<1x114x48xf32>
    %swap3A_356 = vector.shape_cast %swap3A_355 : vector<1x114x48xf32> to vector<114x48xf32>
    %swap3A_357 = vector.shape_cast %select_n3A_351 : vector<114x48xf32> to vector<1x114x48xf32>
    tpu.vector_store %arg4[%swap3A_352, %swap3A_353, %swap3A_354], %swap3A_357 {strides = array<i32>} : memref<12x114x112xf32, #tpu.memory_space<vmem>>, vector<1x114x48xf32>,
    %slice3A_358 = vector.extract_strided_slice %get3A_308 {offsets = [0, 48], sizes = [114, 64], strides = [1, 1]} : vector<114x112xf32> to vector<114x64xf32>
    %slice3A_359 = vector.extract_strided_slice %slice3A_358 {offsets = [0, 1], sizes = [114, 63], strides = [1, 1]} : vector<114x64xf32> to vector<114x63xf32>
    %slice3A_360 = vector.extract_strided_slice %slice3A_358 {offsets = [0, 0], sizes = [114, 63], strides = [1, 1]} : vector<114x64xf32> to vector<114x63xf32>
    %sub3A_361 = arith.subf %slice3A_359, %slice3A_360 : vector<114x63xf32>
    %broadcast_in_dim3A_362 = arith.constant 0.000000e+00 : f32
    %broadcast_in_dim3A_363 = vector.broadcast %broadcast_in_dim3A_362 : f32 to vector<114x1xf32>
    %concatenate3A_364 = tpu.concatenate %broadcast_in_dim3A_363, %sub3A_361 in 1 : vector<114x1xf32>, vector<114x63xf32> -> vector<114x64xf32>
    %concatenate3A_365 = tpu.concatenate %sub3A_361, %broadcast_in_dim3A_363 in 1 : vector<114x63xf32>, vector<114x1xf32> -> vector<114x64xf32>
    %add3A_366 = arith.addf %concatenate3A_364, %concatenate3A_365 : vector<114x64xf32>
    %mul3A_367 = arith.constant 5.000000e-01 : f32
    %mul3A_368 = vector.broadcast %mul3A_367 : f32 to vector<114x64xf32>
    %mul3A_369 = arith.mulf %add3A_366, %mul3A_368 : vector<114x64xf32>
    %slice3A_370 = vector.extract_strided_slice %select_n3A_183 {offsets = [0, 48], sizes = [114, 64], strides = [1, 1]} : vector<114x112xf32> to vector<114x64xf32>
    %slice3A_371 = vector.extract_strided_slice %slice3A_370 {offsets = [0, 0], sizes = [114, 63], strides = [1, 1]} : vector<114x64xf32> to vector<114x63xf32>
    %concatenate3A_372 = tpu.concatenate %broadcast_in_dim3A_363, %slice3A_371 in 1 : vector<114x1xf32>, vector<114x63xf32> -> vector<114x64xf32>
    %slice3A_373 = vector.extract_strided_slice %slice3A_370 {offsets = [0, 1], sizes = [114, 63], strides = [1, 1]} : vector<114x64xf32> to vector<114x63xf32>
    %concatenate3A_374 = tpu.concatenate %slice3A_373, %broadcast_in_dim3A_363 in 1 : vector<114x63xf32>, vector<114x1xf32> -> vector<114x64xf32>
    %max3A_375 = arith.maximumf %concatenate3A_372, %concatenate3A_374 : vector<114x64xf32>
    %max3A_376 = arith.maximumf %slice3A_370, %max3A_375 : vector<114x64xf32>
    %gt3A_377 = arith.constant 0.000000e+00 : f32
    %gt3A_378 = vector.broadcast %gt3A_377 : f32 to vector<114x64xf32>
    %gt3A_379 = arith.cmpf ogt, %max3A_376, %gt3A_378 : vector<114x64xf32>
    %jit3A_380 = arith.constant 0.000000e+00 : f32
    %broadcast_in_dim3A_381 = vector.broadcast %jit3A_380 : f32 to vector<114x64xf32>
    %select_n3A_382 = arith.select %gt3A_379, %broadcast_in_dim3A_381, %concatenate3A_364 : vector<114x64xi1>, vector<114x64xf32>
    %swap3A_383 = arith.constant 4 : index
    %swap3A_384 = arith.constant 0 : index
    %swap3A_385 = arith.constant 48 : index
    %swap3A_386 = vector.load %arg4[%swap3A_383, %swap3A_384, %swap3A_385] : memref<12x114x112xf32, #tpu.memory_space<vmem>>, vector<1x114x64xf32>
    %swap3A_387 = vector.shape_cast %swap3A_386 : vector<1x114x64xf32> to vector<114x64xf32>
    %swap3A_388 = vector.shape_cast %select_n3A_382 : vector<114x64xf32> to vector<1x114x64xf32>
    tpu.vector_store %arg4[%swap3A_383, %swap3A_384, %swap3A_385], %swap3A_388 {strides = array<i32>} : memref<12x114x112xf32, #tpu.memory_space<vmem>>, vector<1x114x64xf32>,
    %jit3A_389 = arith.constant 0.000000e+00 : f32
    %broadcast_in_dim3A_390 = vector.broadcast %jit3A_389 : f32 to vector<114x64xf32>
    %select_n3A_391 = arith.select %gt3A_379, %broadcast_in_dim3A_390, %concatenate3A_365 : vector<114x64xi1>, vector<114x64xf32>
    %swap3A_392 = arith.constant 7 : index
    %swap3A_393 = arith.constant 0 : index
    %swap3A_394 = arith.constant 48 : index
    %swap3A_395 = vector.load %arg4[%swap3A_392, %swap3A_393, %swap3A_394] : memref<12x114x112xf32, #tpu.memory_space<vmem>>, vector<1x114x64xf32>
    %swap3A_396 = vector.shape_cast %swap3A_395 : vector<1x114x64xf32> to vector<114x64xf32>
    %swap3A_397 = vector.shape_cast %select_n3A_391 : vector<114x64xf32> to vector<1x114x64xf32>
    tpu.vector_store %arg4[%swap3A_392, %swap3A_393, %swap3A_394], %swap3A_397 {strides = array<i32>} : memref<12x114x112xf32, #tpu.memory_space<vmem>>, vector<1x114x64xf32>,
    %jit3A_398 = arith.constant 0.000000e+00 : f32
    %broadcast_in_dim3A_399 = vector.broadcast %jit3A_398 : f32 to vector<114x64xf32>
    %select_n3A_400 = arith.select %gt3A_379, %broadcast_in_dim3A_399, %mul3A_369 : vector<114x64xi1>, vector<114x64xf32>
    %swap3A_401 = arith.constant 10 : index
    %swap3A_402 = arith.constant 0 : index
    %swap3A_403 = arith.constant 48 : index
    %swap3A_404 = vector.load %arg4[%swap3A_401, %swap3A_402, %swap3A_403] : memref<12x114x112xf32, #tpu.memory_space<vmem>>, vector<1x114x64xf32>
    %swap3A_405 = vector.shape_cast %swap3A_404 : vector<1x114x64xf32> to vector<114x64xf32>
    %swap3A_406 = vector.shape_cast %select_n3A_400 : vector<114x64xf32> to vector<1x114x64xf32>
    tpu.vector_store %arg4[%swap3A_401, %swap3A_402, %swap3A_403], %swap3A_406 {strides = array<i32>} : memref<12x114x112xf32, #tpu.memory_space<vmem>>, vector<1x114x64xf32>,
    %get3A_407 = arith.constant 2 : index
    %get3A_408 = arith.constant 0 : index
    %get3A_409 = arith.constant 0 : index
    %get3A_410 = vector.load %arg4[%get3A_407, %get3A_408, %get3A_409] : memref<12x114x112xf32, #tpu.memory_space<vmem>>, vector<1x114x112xf32>
    %get3A_411 = vector.shape_cast %get3A_410 : vector<1x114x112xf32> to vector<114x112xf32>
    %slice3A_412 = vector.extract_strided_slice %get3A_411 {offsets = [0, 0], sizes = [114, 48], strides = [1, 1]} : vector<114x112xf32> to vector<114x48xf32>
    %slice3A_413 = vector.extract_strided_slice %slice3A_412 {offsets = [0, 1], sizes = [114, 47], strides = [1, 1]} : vector<114x48xf32> to vector<114x47xf32>
    %slice3A_414 = vector.extract_strided_slice %slice3A_412 {offsets = [0, 0], sizes = [114, 47], strides = [1, 1]} : vector<114x48xf32> to vector<114x47xf32>
    %sub3A_415 = arith.subf %slice3A_413, %slice3A_414 : vector<114x47xf32>
    %broadcast_in_dim3A_416 = arith.constant 0.000000e+00 : f32
    %broadcast_in_dim3A_417 = vector.broadcast %broadcast_in_dim3A_416 : f32 to vector<114x1xf32>
    %concatenate3A_418 = tpu.concatenate %broadcast_in_dim3A_417, %sub3A_415 in 1 : vector<114x1xf32>, vector<114x47xf32> -> vector<114x48xf32>
    %concatenate3A_419 = tpu.concatenate %sub3A_415, %broadcast_in_dim3A_417 in 1 : vector<114x47xf32>, vector<114x1xf32> -> vector<114x48xf32>
    %add3A_420 = arith.addf %concatenate3A_418, %concatenate3A_419 : vector<114x48xf32>
    %mul3A_421 = arith.constant 5.000000e-01 : f32
    %mul3A_422 = vector.broadcast %mul3A_421 : f32 to vector<114x48xf32>
    %mul3A_423 = arith.mulf %add3A_420, %mul3A_422 : vector<114x48xf32>
    %slice3A_424 = vector.extract_strided_slice %select_n3A_183 {offsets = [0, 0], sizes = [114, 48], strides = [1, 1]} : vector<114x112xf32> to vector<114x48xf32>
    %slice3A_425 = vector.extract_strided_slice %slice3A_424 {offsets = [0, 0], sizes = [114, 47], strides = [1, 1]} : vector<114x48xf32> to vector<114x47xf32>
    %concatenate3A_426 = tpu.concatenate %broadcast_in_dim3A_417, %slice3A_425 in 1 : vector<114x1xf32>, vector<114x47xf32> -> vector<114x48xf32>
    %slice3A_427 = vector.extract_strided_slice %slice3A_424 {offsets = [0, 1], sizes = [114, 47], strides = [1, 1]} : vector<114x48xf32> to vector<114x47xf32>
    %concatenate3A_428 = tpu.concatenate %slice3A_427, %broadcast_in_dim3A_417 in 1 : vector<114x47xf32>, vector<114x1xf32> -> vector<114x48xf32>
    %max3A_429 = arith.maximumf %concatenate3A_426, %concatenate3A_428 : vector<114x48xf32>
    %max3A_430 = arith.maximumf %slice3A_424, %max3A_429 : vector<114x48xf32>
    %gt3A_431 = arith.constant 0.000000e+00 : f32
    %gt3A_432 = vector.broadcast %gt3A_431 : f32 to vector<114x48xf32>
    %gt3A_433 = arith.cmpf ogt, %max3A_430, %gt3A_432 : vector<114x48xf32>
    %jit3A_434 = arith.constant 0.000000e+00 : f32
    %broadcast_in_dim3A_435 = vector.broadcast %jit3A_434 : f32 to vector<114x48xf32>
    %select_n3A_436 = arith.select %gt3A_433, %broadcast_in_dim3A_435, %concatenate3A_418 : vector<114x48xi1>, vector<114x48xf32>
    %swap3A_437 = arith.constant 5 : index
    %swap3A_438 = arith.constant 0 : index
    %swap3A_439 = arith.constant 0 : index
    %swap3A_440 = vector.load %arg4[%swap3A_437, %swap3A_438, %swap3A_439] : memref<12x114x112xf32, #tpu.memory_space<vmem>>, vector<1x114x48xf32>
    %swap3A_441 = vector.shape_cast %swap3A_440 : vector<1x114x48xf32> to vector<114x48xf32>
    %swap3A_442 = vector.shape_cast %select_n3A_436 : vector<114x48xf32> to vector<1x114x48xf32>
    tpu.vector_store %arg4[%swap3A_437, %swap3A_438, %swap3A_439], %swap3A_442 {strides = array<i32>} : memref<12x114x112xf32, #tpu.memory_space<vmem>>, vector<1x114x48xf32>,
    %jit3A_443 = arith.constant 0.000000e+00 : f32
    %broadcast_in_dim3A_444 = vector.broadcast %jit3A_443 : f32 to vector<114x48xf32>
    %select_n3A_445 = arith.select %gt3A_433, %broadcast_in_dim3A_444, %concatenate3A_419 : vector<114x48xi1>, vector<114x48xf32>
    %swap3A_446 = arith.constant 8 : index
    %swap3A_447 = arith.constant 0 : index
    %swap3A_448 = arith.constant 0 : index
    %swap3A_449 = vector.load %arg4[%swap3A_446, %swap3A_447, %swap3A_448] : memref<12x114x112xf32, #tpu.memory_space<vmem>>, vector<1x114x48xf32>
    %swap3A_450 = vector.shape_cast %swap3A_449 : vector<1x114x48xf32> to vector<114x48xf32>
    %swap3A_451 = vector.shape_cast %select_n3A_445 : vector<114x48xf32> to vector<1x114x48xf32>
    tpu.vector_store %arg4[%swap3A_446, %swap3A_447, %swap3A_448], %swap3A_451 {strides = array<i32>} : memref<12x114x112xf32, #tpu.memory_space<vmem>>, vector<1x114x48xf32>,
    %jit3A_452 = arith.constant 0.000000e+00 : f32
    %broadcast_in_dim3A_453 = vector.broadcast %jit3A_452 : f32 to vector<114x48xf32>
    %select_n3A_454 = arith.select %gt3A_433, %broadcast_in_dim3A_453, %mul3A_423 : vector<114x48xi1>, vector<114x48xf32>
    %swap3A_455 = arith.constant 11 : index
    %swap3A_456 = arith.constant 0 : index
    %swap3A_457 = arith.constant 0 : index
    %swap3A_458 = vector.load %arg4[%swap3A_455, %swap3A_456, %swap3A_457] : memref<12x114x112xf32, #tpu.memory_space<vmem>>, vector<1x114x48xf32>
    %swap3A_459 = vector.shape_cast %swap3A_458 : vector<1x114x48xf32> to vector<114x48xf32>
    %swap3A_460 = vector.shape_cast %select_n3A_454 : vector<114x48xf32> to vector<1x114x48xf32>
    tpu.vector_store %arg4[%swap3A_455, %swap3A_456, %swap3A_457], %swap3A_460 {strides = array<i32>} : memref<12x114x112xf32, #tpu.memory_space<vmem>>, vector<1x114x48xf32>,
    %slice3A_461 = vector.extract_strided_slice %get3A_411 {offsets = [0, 48], sizes = [114, 64], strides = [1, 1]} : vector<114x112xf32> to vector<114x64xf32>
    %slice3A_462 = vector.extract_strided_slice %slice3A_461 {offsets = [0, 1], sizes = [114, 63], strides = [1, 1]} : vector<114x64xf32> to vector<114x63xf32>
    %slice3A_463 = vector.extract_strided_slice %slice3A_461 {offsets = [0, 0], sizes = [114, 63], strides = [1, 1]} : vector<114x64xf32> to vector<114x63xf32>
    %sub3A_464 = arith.subf %slice3A_462, %slice3A_463 : vector<114x63xf32>
    %broadcast_in_dim3A_465 = arith.constant 0.000000e+00 : f32
    %broadcast_in_dim3A_466 = vector.broadcast %broadcast_in_dim3A_465 : f32 to vector<114x1xf32>
    %concatenate3A_467 = tpu.concatenate %broadcast_in_dim3A_466, %sub3A_464 in 1 : vector<114x1xf32>, vector<114x63xf32> -> vector<114x64xf32>
    %concatenate3A_468 = tpu.concatenate %sub3A_464, %broadcast_in_dim3A_466 in 1 : vector<114x63xf32>, vector<114x1xf32> -> vector<114x64xf32>
    %add3A_469 = arith.addf %concatenate3A_467, %concatenate3A_468 : vector<114x64xf32>
    %mul3A_470 = arith.constant 5.000000e-01 : f32
    %mul3A_471 = vector.broadcast %mul3A_470 : f32 to vector<114x64xf32>
    %mul3A_472 = arith.mulf %add3A_469, %mul3A_471 : vector<114x64xf32>
    %slice3A_473 = vector.extract_strided_slice %select_n3A_183 {offsets = [0, 48], sizes = [114, 64], strides = [1, 1]} : vector<114x112xf32> to vector<114x64xf32>
    %slice3A_474 = vector.extract_strided_slice %slice3A_473 {offsets = [0, 0], sizes = [114, 63], strides = [1, 1]} : vector<114x64xf32> to vector<114x63xf32>
    %concatenate3A_475 = tpu.concatenate %broadcast_in_dim3A_466, %slice3A_474 in 1 : vector<114x1xf32>, vector<114x63xf32> -> vector<114x64xf32>
    %slice3A_476 = vector.extract_strided_slice %slice3A_473 {offsets = [0, 1], sizes = [114, 63], strides = [1, 1]} : vector<114x64xf32> to vector<114x63xf32>
    %concatenate3A_477 = tpu.concatenate %slice3A_476, %broadcast_in_dim3A_466 in 1 : vector<114x63xf32>, vector<114x1xf32> -> vector<114x64xf32>
    %max3A_478 = arith.maximumf %concatenate3A_475, %concatenate3A_477 : vector<114x64xf32>
    %max3A_479 = arith.maximumf %slice3A_473, %max3A_478 : vector<114x64xf32>
    %gt3A_480 = arith.constant 0.000000e+00 : f32
    %gt3A_481 = vector.broadcast %gt3A_480 : f32 to vector<114x64xf32>
    %gt3A_482 = arith.cmpf ogt, %max3A_479, %gt3A_481 : vector<114x64xf32>
    %jit3A_483 = arith.constant 0.000000e+00 : f32
    %broadcast_in_dim3A_484 = vector.broadcast %jit3A_483 : f32 to vector<114x64xf32>
    %select_n3A_485 = arith.select %gt3A_482, %broadcast_in_dim3A_484, %concatenate3A_467 : vector<114x64xi1>, vector<114x64xf32>
    %swap3A_486 = arith.constant 5 : index
    %swap3A_487 = arith.constant 0 : index
    %swap3A_488 = arith.constant 48 : index
    %swap3A_489 = vector.load %arg4[%swap3A_486, %swap3A_487, %swap3A_488] : memref<12x114x112xf32, #tpu.memory_space<vmem>>, vector<1x114x64xf32>
    %swap3A_490 = vector.shape_cast %swap3A_489 : vector<1x114x64xf32> to vector<114x64xf32>
    %swap3A_491 = vector.shape_cast %select_n3A_485 : vector<114x64xf32> to vector<1x114x64xf32>
    tpu.vector_store %arg4[%swap3A_486, %swap3A_487, %swap3A_488], %swap3A_491 {strides = array<i32>} : memref<12x114x112xf32, #tpu.memory_space<vmem>>, vector<1x114x64xf32>,
    %jit3A_492 = arith.constant 0.000000e+00 : f32
    %broadcast_in_dim3A_493 = vector.broadcast %jit3A_492 : f32 to vector<114x64xf32>
    %select_n3A_494 = arith.select %gt3A_482, %broadcast_in_dim3A_493, %concatenate3A_468 : vector<114x64xi1>, vector<114x64xf32>
    %swap3A_495 = arith.constant 8 : index
    %swap3A_496 = arith.constant 0 : index
    %swap3A_497 = arith.constant 48 : index
    %swap3A_498 = vector.load %arg4[%swap3A_495, %swap3A_496, %swap3A_497] : memref<12x114x112xf32, #tpu.memory_space<vmem>>, vector<1x114x64xf32>
    %swap3A_499 = vector.shape_cast %swap3A_498 : vector<1x114x64xf32> to vector<114x64xf32>
    %swap3A_500 = vector.shape_cast %select_n3A_494 : vector<114x64xf32> to vector<1x114x64xf32>
    tpu.vector_store %arg4[%swap3A_495, %swap3A_496, %swap3A_497], %swap3A_500 {strides = array<i32>} : memref<12x114x112xf32, #tpu.memory_space<vmem>>, vector<1x114x64xf32>,
    %jit3A_501 = arith.constant 0.000000e+00 : f32
    %broadcast_in_dim3A_502 = vector.broadcast %jit3A_501 : f32 to vector<114x64xf32>
    %select_n3A_503 = arith.select %gt3A_482, %broadcast_in_dim3A_502, %mul3A_472 : vector<114x64xi1>, vector<114x64xf32>
    %swap3A_504 = arith.constant 11 : index
    %swap3A_505 = arith.constant 0 : index
    %swap3A_506 = arith.constant 48 : index
    %swap3A_507 = vector.load %arg4[%swap3A_504, %swap3A_505, %swap3A_506] : memref<12x114x112xf32, #tpu.memory_space<vmem>>, vector<1x114x64xf32>
    %swap3A_508 = vector.shape_cast %swap3A_507 : vector<1x114x64xf32> to vector<114x64xf32>
    %swap3A_509 = vector.shape_cast %select_n3A_503 : vector<114x64xf32> to vector<1x114x64xf32>
    tpu.vector_store %arg4[%swap3A_504, %swap3A_505, %swap3A_506], %swap3A_509 {strides = array<i32>} : memref<12x114x112xf32, #tpu.memory_space<vmem>>, vector<1x114x64xf32>,
    return
  }
}

module attributes {stable_mosaic.version = 14 : i64} {
  func.func @_tc_half_body(%arg0: i32, %arg1: memref<1x543x2048xf32, #tpu.memory_space<vmem>>, %arg2: memref<114x543xf32, #tpu.memory_space<vmem>>, %arg3: memref<2048x112xf32, #tpu.memory_space<vmem>>, %arg4: memref<1x114x112xf32, #tpu.memory_space<vmem>>, %arg5: memref<8x128xf32, #tpu.memory_space<vmem>>, %arg6: memref<2xf32, #tpu.memory_space<smem>>) attributes {dimension_semantics = [#tpu.dimension_semantics<arbitrary>], iteration_bounds = array<i64: 2>, scalar_prefetch = 0 : i64, scratch_operands = 1 : i64, tpu.core_type = #tpu.core_type<tc>, window_params = [{transform_indices = @transform_0, window_bounds = array<i64: 1, 543, 2048>}, {pipeline_mode = #tpu.pipeline_mode<synchronous>, transform_indices = @transform_1, window_bounds = array<i64: 114, 543>}, {pipeline_mode = #tpu.pipeline_mode<synchronous>, transform_indices = @transform_2, window_bounds = array<i64: 2048, 112>}, {transform_indices = @transform_3, window_bounds = array<i64: 1, 114, 112>}, {pipeline_mode = #tpu.pipeline_mode<synchronous>, transform_indices = @transform_4, window_bounds = array<i64: 8, 128>}]} {
    %get3A = arith.constant 0 : index
    %get3A_0 = arith.constant 0 : index
    %get3A_1 = vector.load %arg2[%get3A, %get3A_0] : memref<114x543xf32, #tpu.memory_space<vmem>>, vector<114x543xf32>
    %get3A_2 = arith.constant 0 : index
    %get3A_3 = arith.constant 0 : index
    %get3A_4 = arith.constant 0 : index
    %get3A_5 = vector.load %arg1[%get3A_2, %get3A_3, %get3A_4] : memref<1x543x2048xf32, #tpu.memory_space<vmem>>, vector<1x543x2048xf32>
    %get3A_6 = vector.shape_cast %get3A_5 : vector<1x543x2048xf32> to vector<543x2048xf32>
    %dot_general3A = arith.constant dense<0.000000e+00> : vector<114x2048xf32>
    %dot_general3A_7 = tpu.matmul %get3A_1, %get3A_6, %dot_general3A {dimension_numbers = #tpu.dot_dimension_numbers<[1], [0], [0], [1], [0, 0, 1, 1], [], []>, transpose_lhs_hint = false} : vector<114x543xf32>, vector<543x2048xf32>, vector<114x2048xf32> -> vector<114x2048xf32>
    %reduce_sum3A = vector.shape_cast %dot_general3A_7 : vector<114x2048xf32> to vector<1x114x2048xf32>
    %reduce_sum3A_8 = arith.constant dense<0.000000e+00> : vector<1xf32>
    %reduce_sum3A_9 = vector.multi_reduction <add>, %reduce_sum3A, %reduce_sum3A_8 [1, 2] : vector<1x114x2048xf32> to vector<1xf32>
    %reduce_sum3A_10 = vector.shape_cast %reduce_sum3A_9 : vector<1xf32> to vector<1x1x1xf32>
    %reduce_sum3A_11 = vector.extract %reduce_sum3A_10[0, 0, 0] : f32 from vector<1x1x1xf32>
    %mul3A = arith.mulf %dot_general3A_7, %dot_general3A_7 : vector<114x2048xf32>
    %reduce_sum3A_12 = vector.shape_cast %mul3A : vector<114x2048xf32> to vector<1x114x2048xf32>
    %reduce_sum3A_13 = arith.constant dense<0.000000e+00> : vector<1xf32>
    %reduce_sum3A_14 = vector.multi_reduction <add>, %reduce_sum3A_12, %reduce_sum3A_13 [1, 2] : vector<1x114x2048xf32> to vector<1xf32>
    %reduce_sum3A_15 = vector.shape_cast %reduce_sum3A_14 : vector<1xf32> to vector<1x1x1xf32>
    %reduce_sum3A_16 = vector.extract %reduce_sum3A_15[0, 0, 0] : f32 from vector<1x1x1xf32>
    %eq3A = arith.constant 0 : i32
    %eq3A_17 = arith.cmpi eq, %arg0, %eq3A : i32
    %convert_element_type3A = arith.extui %eq3A_17 : i1 to i32
    %cond3A = arith.constant 0 : i32
    %cond3A_18 = arith.cmpi ne, %convert_element_type3A, %cond3A : i32
    scf.if %cond3A_18 {
      %swap3A_34 = arith.constant 0 : index
      %swap3A_35 = memref.load %arg6[%swap3A_34] : memref<2xf32, #tpu.memory_space<smem>>
      memref.store %reduce_sum3A_11, %arg6[%swap3A_34] : memref<2xf32, #tpu.memory_space<smem>>
      %swap3A_36 = arith.constant 1 : index
      %swap3A_37 = memref.load %arg6[%swap3A_36] : memref<2xf32, #tpu.memory_space<smem>>
      memref.store %reduce_sum3A_16, %arg6[%swap3A_36] : memref<2xf32, #tpu.memory_space<smem>>
    } else {
    }
    %eq3A_19 = arith.constant 1 : i32
    %eq3A_20 = arith.cmpi eq, %arg0, %eq3A_19 : i32
    %convert_element_type3A_21 = arith.extui %eq3A_20 : i1 to i32
    %cond3A_22 = arith.constant 0 : i32
    %cond3A_23 = arith.cmpi ne, %convert_element_type3A_21, %cond3A_22 : i32
    scf.if %cond3A_23 {
      %iota3A = tpu.iota {dimensions = array<i32: 0>} : vector<8x128xi32>
      %iota3A_34 = tpu.iota {dimensions = array<i32: 1>} : vector<8x128xi32>
      %get3A_35 = arith.constant 0 : index
      %get3A_36 = memref.load %arg6[%get3A_35] : memref<2xf32, #tpu.memory_space<smem>>
      %add3A = arith.addf %get3A_36, %reduce_sum3A_11 : f32
      %get3A_37 = arith.constant 1 : index
      %get3A_38 = memref.load %arg6[%get3A_37] : memref<2xf32, #tpu.memory_space<smem>>
      %add3A_39 = arith.addf %get3A_38, %reduce_sum3A_16 : f32
      %eq3A_40 = arith.constant 0 : i32
      %eq3A_41 = vector.broadcast %eq3A_40 : i32 to vector<8x128xi32>
      %eq3A_42 = arith.cmpi eq, %iota3A, %eq3A_41 : vector<8x128xi32>
      %eq3A_43 = arith.constant 0 : i32
      %eq3A_44 = vector.broadcast %eq3A_43 : i32 to vector<8x128xi32>
      %eq3A_45 = arith.cmpi eq, %iota3A_34, %eq3A_44 : vector<8x128xi32>
      %and3A = arith.andi %eq3A_42, %eq3A_45 : vector<8x128xi1>
      %eq3A_46 = arith.constant 0 : i32
      %eq3A_47 = vector.broadcast %eq3A_46 : i32 to vector<8x128xi32>
      %eq3A_48 = arith.cmpi eq, %iota3A, %eq3A_47 : vector<8x128xi32>
      %eq3A_49 = arith.constant 1 : i32
      %eq3A_50 = vector.broadcast %eq3A_49 : i32 to vector<8x128xi32>
      %eq3A_51 = arith.cmpi eq, %iota3A_34, %eq3A_50 : vector<8x128xi32>
      %and3A_52 = arith.andi %eq3A_48, %eq3A_51 : vector<8x128xi1>
      %jit3A = arith.constant 0.000000e+00 : f32
      %broadcast_in_dim3A = vector.broadcast %add3A_39 : f32 to vector<8x128xf32>
      %broadcast_in_dim3A_53 = vector.broadcast %jit3A : f32 to vector<8x128xf32>
      %select_n3A = arith.select %and3A_52, %broadcast_in_dim3A, %broadcast_in_dim3A_53 : vector<8x128xi1>, vector<8x128xf32>
      %broadcast_in_dim3A_54 = vector.broadcast %add3A : f32 to vector<8x128xf32>
      %select_n3A_55 = arith.select %and3A, %broadcast_in_dim3A_54, %select_n3A : vector<8x128xi1>, vector<8x128xf32>
      %swap3A_56 = arith.constant 0 : index
      %swap3A_57 = arith.constant 0 : index
      %swap3A_58 = vector.load %arg5[%swap3A_56, %swap3A_57] : memref<8x128xf32, #tpu.memory_space<vmem>>, vector<8x128xf32>
      tpu.vector_store %arg5[%swap3A_56, %swap3A_57], %select_n3A_55 {strides = array<i32>} : memref<8x128xf32, #tpu.memory_space<vmem>>, vector<8x128xf32>,
    } else {
    }
    %get3A_24 = arith.constant 0 : index
    %get3A_25 = arith.constant 0 : index
    %get3A_26 = vector.load %arg3[%get3A_24, %get3A_25] : memref<2048x112xf32, #tpu.memory_space<vmem>>, vector<2048x112xf32>
    %dot_general3A_27 = arith.constant dense<0.000000e+00> : vector<114x112xf32>
    %dot_general3A_28 = tpu.matmul %dot_general3A_7, %get3A_26, %dot_general3A_27 {dimension_numbers = #tpu.dot_dimension_numbers<[1], [0], [0], [1], [0, 0, 1, 1], [], []>, transpose_lhs_hint = false} : vector<114x2048xf32>, vector<2048x112xf32>, vector<114x112xf32> -> vector<114x112xf32>
    %swap3A = arith.constant 0 : index
    %swap3A_29 = arith.constant 0 : index
    %swap3A_30 = arith.constant 0 : index
    %swap3A_31 = vector.load %arg4[%swap3A, %swap3A_29, %swap3A_30] : memref<1x114x112xf32, #tpu.memory_space<vmem>>, vector<1x114x112xf32>
    %swap3A_32 = vector.shape_cast %swap3A_31 : vector<1x114x112xf32> to vector<114x112xf32>
    %swap3A_33 = vector.shape_cast %dot_general3A_28 : vector<114x112xf32> to vector<1x114x112xf32>
    tpu.vector_store %arg4[%swap3A, %swap3A_29, %swap3A_30], %swap3A_33 {strides = array<i32>} : memref<1x114x112xf32, #tpu.memory_space<vmem>>, vector<1x114x112xf32>,
    return
  }
  func.func @transform_0(%arg0: i32) -> (i32, i32, i32) {
    %c0_i32 = arith.constant 0 : i32
    %c0_i32_0 = arith.constant 0 : i32
    %c0_i32_1 = arith.constant 0 : i32
    return %arg0, %c0_i32, %c0_i32_0 : i32, i32, i32
  }
  func.func @transform_1(%arg0: i32) -> (i32, i32) {
    %c0_i32 = arith.constant 0 : i32
    %c0_i32_0 = arith.constant 0 : i32
    %c0_i32_1 = arith.constant 0 : i32
    return %c0_i32, %c0_i32_0 : i32, i32
  }
  func.func @transform_2(%arg0: i32) -> (i32, i32) {
    %c0_i32 = arith.constant 0 : i32
    %c0_i32_0 = arith.constant 0 : i32
    %c0_i32_1 = arith.constant 0 : i32
    return %c0_i32, %c0_i32_0 : i32, i32
  }
  func.func @transform_3(%arg0: i32) -> (i32, i32, i32) {
    %c0_i32 = arith.constant 0 : i32
    %c0_i32_0 = arith.constant 0 : i32
    %c0_i32_1 = arith.constant 0 : i32
    return %arg0, %c0_i32, %c0_i32_0 : i32, i32, i32
  }
  func.func @transform_4(%arg0: i32) -> (i32, i32) {
    %c0_i32 = arith.constant 0 : i32
    %c0_i32_0 = arith.constant 0 : i32
    %c0_i32_1 = arith.constant 0 : i32
    return %c0_i32, %c0_i32_0 : i32, i32
  }
}

</mosaic_0001>

<sc_bundles>
// kernel: kernel.5.cloned.1.call-start
scs
__scs_entry_jumppad:
0x0: {  	(pc) =	sbr.rel $0x88, $3  }
0x1: {  	(tag) =	ssettag $0x0;
	lr =	simm.s32 $0x1  }
0x2: {  	[smem:$0x3FA0] =	sst lr;
	_ =	strace $0xD0000000  }
0x3: {  	_ = 	snop  }
0x4: {  	_ = 	snop  }
0x5: {  	_ = 	snop  }
0x6: {  	_ = 	snop  }
0x7: {  	_ = 	snop  }
__scs_overlays_trampoline_lowered:
0x8: {  	[smem:$0x3FAF] =	sst s0  }
0x9: {  	[smem:$0x3FB0] =	sst s1  }
0xa: {  	[smem:$0x3FB1] =	sst s2  }
0xb: {  	[smem:$0x3FB2] =	sst s3  }
0xc: {  	[smem:$0x3FB3] =	sst s4  }
0xd: {  	[smem:$0x3FB4] =	sst s5  }
0xe: {  	[smem:$0x3FB5] =	sst s6  }
0xf: {  	[smem:$0x3FB6] =	sst s7  }
0x10: {  	[smem:$0x3FB7] =	sst s8  }
0x11: {  	[smem:$0x3FB8] =	sst s9;
	s0 =	simm.s32 @!p0 $0x0  }
0x12: {  	s1 =	sld [smem:$0x3F9E];
	s0 =	simm.s32 @p0 $0x1  }
0x13: {  	[smem:$0x3FB9] =	sst s0;
	s0 =	simm.s32 @!p1 $0x0  }
0x14: {  	s2 =	sld [smem:$0x3F9D];
	s0 =	simm.s32 @p1 $0x1  }
0x15: {  	[smem:$0x3FBA] =	sst s0;
	s0 =	simm.s32 @!p2 $0x0  }
0x16: {  	s3 =	sld [smem:$0x3FDB];
	s0 =	simm.s32 @p2 $0x1  }
0x17: {  	s4 =	simm.s32 $0x1BF5;
	[smem:$0x3FBC] =	sst s0  }
0x18: {  	s0 =	sld [smem:$0x3F9F];
	_ =	swait.ge [sflag:s4], $0x0  }
0x19: {  	s7 =	sld [smem:$0x3FA0]  }
0x1a: {  	s8 =	sadd.s32 $0xFFFFE003, lr  }
0x1b: {  	s9 =	sadd.s32 $0xFFFFFEF7, lr;
	s5 =	simm.s32 $0xFFFFFFFF;
	p2 =	slt.u32 s8, $0xFFFFF086  }
0x1c: {  	p1 =	slt.u32 s9, $0xF7A;
	s5 =	simm.s32 @!p2 $0x0  }
0x1d: {  	s5 =	simm.s32 @p1 $0x1;
	p0 =	seq.s32 s7, s2  }
0x1e: {  	s7 =	smul.u32 @!p0 $0xF7A, s2;
	p2 =	seq.s32 @!p0 s5, $0x0  }
0x1f: {  	s9 =	smul.u32 $0xF7A, s1;
	s8 =	simm.s32 @!p0 $0x1BF5;
	p2 =	por !p2, p0  }
0x20: {  	[sflag:s8] =	ssyncset.s32 @!p0 $0xFFFFF086;
	s6 =	sadd.s32 @!p0 s3, s7;
	s7 =	simm.s32 @!p0 $0x108  }
0x21: {  	s3 =	sadd.s32 s3, s9;
	s6 =	sadd.s32 @!p0 $0x88, s6;
	s7 =	simm.s32 @p2 $0x1082  }
0x22: {  	[simem:s7], [sflag:s8] =	dma.local @!p0 [hbm:s6], $0xF7A  }
0x23: {  	s9 =	sor.u32 $0xD0000000, s2;
	s6 =	simm.s32 $0x108;
	_ =	swait.ge @!p0 [sflag:s8], $0x0  }
0x24: {  	s3 =	sadd.s32 $0x88, s3;
	s6 =	simm.s32 @!p1 $0x1082;
	[sflag:s4] =	ssyncset.s32 $0xFFFFF086  }
0x25: {  	[simem:s6], [sflag:s4] =	dma.local [hbm:s3], $0xF7A  }
0x26: {  	[smem:$0x3FA0] =	sst s1;
	(tag) =	ssettag s2;
	_ =	strace s9  }
0x27: {  	s1 =	sld [smem:$0x3FB0]  }
0x28: {  	s2 =	sld [smem:$0x3FB1]  }
0x29: {  	s4 =	sld [smem:$0x3FB3]  }
0x2a: {  	p0 =	seq.s32 s5, $0x0;
	s5 =	sld [smem:$0x3FB4]  }
0x2b: {  	s6 =	sld [smem:$0x3FB5]  }
0x2c: {  	s7 =	sld [smem:$0x3FB6]  }
0x2d: {  	s3 =	simm.s32 $0x108;
	s8 =	sld [smem:$0x3FB7]  }
0x2e: {  	s3 =	simm.s32 @!p0 $0x1082;
	s9 =	sld [smem:$0x3FB8]  }
0x2f: {  	lr =	sadd.s32 s0, s3;
	s0 =	sld [smem:$0x3FAF]  }
0x30: {  	s3 =	sld [smem:$0x3FB2]  }
0x31: {  	[smem:$0x3FBB] =	sst s10  }
0x32: {  	s10 =	sld [smem:$0x3FB9];
	_ =	sdelay $0x3  }
0x33: {  	p0 =	seq.s32 s10, $0x1;
	s10 =	sld [smem:$0x3FBB];
	_ =	sdelay $0x3  }
0x34: {  	[smem:$0x3FBB] =	sst s10  }
0x35: {  	s10 =	sld [smem:$0x3FBA];
	_ =	sdelay $0x3  }
0x36: {  	p1 =	seq.s32 s10, $0x1;
	s10 =	sld [smem:$0x3FBB];
	_ =	sdelay $0x3  }
0x37: {  	[smem:$0x3FBB] =	sst s10  }
0x38: {  	s10 =	sld [smem:$0x3FBC]  }
0x39: {  	_ = 	snop;
	(pc) =	sbr.ind lr, $3  }
0x3a: {  	_ = 	snop  }
0x3b: {  	_ = 	snop  }
0x3c: {  	p2 =	seq.s32 s10, $0x1;
	s10 =	sld [smem:$0x3FBB]  }
0x3d: {  	_ =	shalt  }
0x3e: {  	_ =	shalt  }
0x3f: {  	_ =	shalt  }
0x40: {  	_ =	shalt  }
0x41: {  	_ =	shalt  }
0x42: {  	_ =	shalt  }
0x43: {  	_ =	shalt  }
0x44: {  	_ =	shalt  }
0x45: {  	_ =	shalt  }
0x46: {  	_ =	shalt  }
0x47: {  	_ =	shalt  }
0x48: {  	_ =	shalt  }
0x49: {  	_ =	shalt  }
0x4a: {  	_ =	shalt  }
0x4b: {  	_ =	shalt  }
0x4c: {  	_ =	shalt  }
0x4d: {  	_ =	shalt  }
0x4e: {  	_ =	shalt  }
0x4f: {  	_ =	shalt  }
0x50: {  	_ =	shalt  }
0x51: {  	_ =	shalt  }
0x52: {  	_ =	shalt  }
0x53: {  	_ =	shalt  }
0x54: {  	_ =	shalt  }
0x55: {  	_ =	shalt  }
0x56: {  	_ =	shalt  }
0x57: {  	_ =	shalt  }
0x58: {  	_ =	shalt  }
0x59: {  	_ =	shalt  }
0x5a: {  	_ =	shalt  }
0x5b: {  	_ =	shalt  }
0x5c: {  	_ =	shalt  }
0x5d: {  	_ =	shalt  }
0x5e: {  	_ =	shalt  }
0x5f: {  	_ =	shalt  }
0x60: {  	_ =	shalt  }
0x61: {  	_ =	shalt  }
0x62: {  	_ =	shalt  }
0x63: {  	_ =	shalt  }
0x64: {  	_ =	shalt  }
0x65: {  	_ =	shalt  }
0x66: {  	_ =	shalt  }
0x67: {  	_ =	shalt  }
0x68: {  	_ =	shalt  }
0x69: {  	_ =	shalt  }
0x6a: {  	_ =	shalt  }
0x6b: {  	_ =	shalt  }
0x6c: {  	_ =	shalt  }
0x6d: {  	_ =	shalt  }
0x6e: {  	_ =	shalt  }
0x6f: {  	_ =	shalt  }
0x70: {  	_ =	shalt  }
0x71: {  	_ =	shalt  }
0x72: {  	_ =	shalt  }
0x73: {  	_ =	shalt  }
0x74: {  	_ =	shalt  }
0x75: {  	_ =	shalt  }
0x76: {  	_ =	shalt  }
0x77: {  	_ =	shalt  }
0x78: {  	_ =	shalt  }
0x79: {  	_ =	shalt  }
0x7a: {  	_ =	shalt  }
0x7b: {  	_ =	shalt  }
0x7c: {  	_ =	shalt  }
0x7d: {  	_ =	shalt  }
0x7e: {  	_ =	shalt  }
0x7f: {  	_ =	shalt  }
0x80: {  	_ =	shalt  }
0x81: {  	_ =	shalt  }
0x82: {  	_ =	shalt  }
0x83: {  	_ =	shalt  }
0x84: {  	_ =	shalt  }
0x85: {  	_ =	shalt  }
0x86: {  	_ =	shalt  }
0x87: {  	_ =	shalt  }
.Lfunc_end0:
.L_simem_size_0:
called_computation_lowered:
.L_overlay_start_0:
0x88: {  	s2 =	sld [smem:$0x3FD9]  }
0x89: {  	s3 =	sld [smem:$0x3FFE];
	_ =	sdelay $0x1  }
0x8a: {  	s1 =	srdreg.scid  }
0x8b: {  	s0 =	sand.u32 $0x1, s1  }
0x8c: {  	s15 =	sshll.u32 s0, $0xA;
	s2 =	sadd.s32 s3, s2  }
0x8d: {  	s2 =	sadd.s32 s2, s15  }
0x8e: {  	[smem:$0x3FC7] =	sst s2  }
0x8f: {  	_ = 	snop  }
0x90: {  	s2 =	sld [smem:$0x3FD0];
	_ =	sdelay $0x2  }
0x91: {  	s4 =	simm.s32 $0xA;
	s5 =	simm.s32 $0x10;
	s16 =	sld [smem:$0x3FC9]  }
0x92: {  	[smem:s5], [sflag:s4] =	dma.local [hbm:s2], $0x1  }
0x93: {  	_ =	swait.eq [sflag:s4], $0x1  }
0x94: {  	s17 =	sld [smem:$0x10];
	[sflag:s4] =	ssyncset.done $0x0  }
0x95: {  	s18 =	sld [smem:$0x11];
	[sflag:s4] =	ssyncadd.s32 $0xFFFFFFFF  }
0x96: {  	s19 =	sld [smem:$0x12];
	(tm) =	ssettm $0x1  }
0x97: {  	s6 =	sld [smem:$0x3FFB];
	_ =	sdelay $0x3  }
0x98: {  	_ =	strace s6  }
0x99: {  	s6 =	sld [smem:$0x3FFC];
	_ =	sdelay $0x3  }
0x9a: {  	_ =	strace s6  }
0x9b: {  	s6 =	sld [smem:$0x3FFD];
	_ =	sdelay $0x3  }
0x9c: {  	_ =	strace s6  }
0x9d: {  	_ =	strace $0x8FFFFFFF  }
0x9e: {  	s20 =	sld [smem:$0x3FDB];
	_ =	sdelay $0x1  }
0x9f: {  	s7 =	simm.s32 $_scs_section_size  }
0xa0: {  	s8 =	simm.s32 $_size__tile_overlayer_lowered;
	s9 =	simm.s32 $_tile_overlayer_lowered  }
0xa1: {  	s23 =	simm.s32 $0x1BFF;
	s22 =	sshll.u32 s9, $0x1;
	s6 =	sadd.s32 s7, s20  }
0xa2: {  	s10 =	simm.s32 $0x0;
	s21 =	sshll.u32 s8, $0x1;
	s8 =	sadd.s32 s22, s6  }
0xa3: {  	[timem:s10], [sflag:s23] =	dma.local [hbm:s8], s21  }
0xa4: {  	_ =	swait.ge [sflag:s23], s21  }
0xa5: {  	s7 =	ssub.s32 $0x0, s21;
	[sflag:s23] =	ssyncset.done $0x0  }
0xa6: {  	[sflag:s23] =	ssyncadd.s32 s7;
	_ =	sdelay $0x1  }
0xa7: {  	s24 =	simm.s32 $0x1B8B  }
0xa8: {  	_ =	swait.ge [sflag:s24], $0x1  }
0xa9: {  	[sflag:s24] =	ssyncset.done $0x0  }
0xaa: {  	s25 =	simm.s32 $0x1B8E;
	[sflag:s24] =	ssyncadd.s32 $0xFFFFFFFF  }
0xab: {  	s26 =	simm.s32 $execute0_lowered;
	[smem:$0x3FD2] =	sst s25  }
0xac: {  	s7 =	sshll.u32 s26, $0x1;
	_ =	strace $0x80000046;
	[dreg:$0x1] =	wrdreg $0xFFFFFFFF  }
0xad: {  	s28 =	simm.s32 $_size_execute0_lowered;
	s6 =	sadd.s32 s6, s7;
	[dreg:$0x0] =	wrdreg $0x0  }
0xae: {  	s7 =	sshll.u32 s28, $0x1;
	[dreg:$0x2] =	wrdreg s6  }
0xaf: {  	[dreg:$0x3] =	wrdreg s7  }
0xb0: {  	[dreg:$0x4] =	wrdreg $0xC0  }
0xb1: {  	_ =	task [dreg:s10], $0x5FFFF  }
0xb2: {  	[dreg:$0x1] =	wrdreg $0xFFFFFFFF  }
0xb3: {  	[dreg:$0x0] =	wrdreg $0x60  }
0xb4: {  	[dreg:$0x2] =	wrdreg s16  }
0xb5: {  	[dreg:$0x3] =	wrdreg s18  }
0xb6: {  	[dreg:$0x4] =	wrdreg s17  }
0xb7: {  	[dreg:$0x5] =	wrdreg s19  }
0xb8: {  	[dreg:$0x6] =	wrdreg $0x9  }
0xb9: {  	_ =	task.clear_ibuf [dreg:s10], $0x7FFFF;
	_ =	strace $0x90000046  }
0xba: {  	s29 =	simm.s32 $0x9;
	_ =	strace $0x80000048  }
0xbb: {  	_ =	swait.ge [sflag:s29], $0x1  }
0xbc: {  	[sflag:s29] =	ssyncadd.s32 $0xFFFFFFFF  }
0xbd: {  	_ =	strace $0x90000048  }
0xbe: {  	_ =	sfence  }
0xbf: {  	s30 =	sld [smem:$0x0];
	_ =	sdelay $0x2  }
0xc0: {  	s31 =	sshll.u32 s1, $0xD;
	s1 =	sshrl.u32 s1, $0x2  }
0xc1: {  	s3 =	sand.u32 $0x4000, s31;
	s1 =	sadd.s32 s1, s30  }
0xc2: {  	s0 =	sor.u32 s3, s0;
	s1 =	sshll.u32 s1, $0x11  }
0xc3: {  	s0 =	sor.u32 s1, s0  }
0xc4: {  	s0 =	sadd.s32 $0x8F2B, s0  }
0xc5: {  	[sflag:s0] =	ssyncadd.remote.s32 $0x1  }
0xc6: {  	_ =	sfence.sel $0xFFFF  }
0xc7: {  	[dreg:$0x0] =	wrdreg $0xFFFFFFFF;
	(pc) =	sbr.abs _section_cstart, $3  }
0xc8: {  	[dreg:$0x1] =	wrdreg $0xFFFFFFFF  }
0xc9: {  	_ =	task.clear_ibuf [dreg:s10], $0x2FFFF;
	_ =	strace $0x9FFFFFFF  }
0xca: {  	(tm) =	ssettm $0x7FFFFFFF  }
0xcb: {  	_ =	shalt  }
tec
execute0_lowered:
.L_overlay_start_1:
0x0: {  	(tag) =	ssettag $0x1  }
0x1: {  	s3 =	rddreg [dreg:$0x1]  }
0x2: {  	s1 =	srdreg.scid;
	s5 =	rddreg [dreg:$0x2]  }
0x3: {  	s0 =	stileid.u32;
	s9 =	rddreg [dreg:$0x3];
	s7 =	sand.u32 $0x1, s1  }
0x4: {  	s6 =	simm.s32 $0x0;
	s2 =	sshll.u32 s0, $0x3;
	s4 =	sshll.u32 s7, $0x2  }
0x5: {  	s14 =	simm.s32 $0x1;
	s13 =	simm.s32 $0x200;
	s4 =	sor.u32 s4, s2  }
0x6: {  	s16 =	simm.s32 $0x1A00;
	s17 =	simm.s32 $0x2400;
	s8 =	ssub.s32 $0x72, s4  }
0x7: {  	s18 =	simm.s32 $0x5;
	s1 =	rddreg [dreg:$0x0];
	p0 =	sgt.s32 s8, $0x0  }
0x8: {  	s19 =	simm.s32 $0x0;
	[smem:$0x7FF] =	sst s6;
	s8 =	simm.s32 @!p0 $0x0  }
0x9: {  	s10 =	ssub.s32 $0x2, s7;
	s2 =	rddreg [dreg:$0x4];
	s7 =	smin.u32 s8, $0x4  }
0xa: {  	_ =	strace $0x80000047;
	s11 =	sshrl.u32 s10, $0x1;
	s12 =	smax.u32 s7, $0x1  }
0xb: {  	s10 =	ssub.s32 s10, s11;
	p0 =	sne.s32 s8, $0x0;
	s12 =	sadd.s32 $0xFFFFFFFF, s12  }
0xc: {  	v1 =	vlaneseq.u32;
	vm3 =	vmmov $0x1;
	s11 =	simm.s32 $0x80;
	s14 =	simm.s32 @!p0 $0x0;
	s15 =	smin.u32 s12, $0x2  }
0xd: {  	s8 =	sadd.s32 s9, s4;
	s9 =	smax.u32 s10, $0x1;
	s10 =	simm.s32 $0x6;
	v2 =	vmov s14;
	v0 =	vmov s12;
	v3 =	vmov s15  }
0xe: {  	s14 =	simm.s32 $0xA00;
	s12 =	simm.s32 $0x400;
	vm2 =	veq.s32 v2, v1;
	vm0 =	veq.s32 v0, v1;
	s15 =	simm.s32 $0x1200;
	vm1 =	veq.s32 v3, v1  }
.LBB2_1:
0xf: {  	[tilespmem:s6], [sflag:$0x6] =	stream.linear.gather [hbm4b:s3+s6], $0x200, $0x38;
	[tilespmem:$0x2480] =	vst v63  }
0x10: {  	_ =	swait.ge [sflag:s10], $0x200  }
0x11: {  	[sflag:s10] =	ssyncset.done $0x0  }
0x12: {  	[sflag:s10] =	ssyncadd.s32 $0xFFFFFE00  }
0x13: {  	v0 =	vld [tilespmem:s4+$0x0];
	_ =	sdelay $0x4  }
0x14: {  	v1 =	vnsel vm3, $0x0, v0  }
0x15: {  	(xrf0) =	vadd.scan.msk.s32 $0xffff, v1;
	_ =	sdelay $0x5  }
0x16: {  	v1, _, _ =	vpop (xrf0)  }
0x17: {  	(v2sf) =	vpush v1, $0xF;
	v1 =	vnsel vm2, $0x0, v0  }
0x18: {  	(xrf0) =	vadd.scan.msk.s32 $0xffff, v1;
	_ =	sdelay $0x4  }
0x19: {  	v1 =	vnsel vm1, $0x0, v0  }
0x1a: {  	v2, _, _ =	vpop (xrf0);
	(xrf0) =	vadd.scan.msk.s32 $0xffff, v1  }
0x1b: {  	(v2sf) =	vpush v2, $0xF;
	_ =	sdelay $0x4  }
0x1c: {  	v0 =	vnsel vm0, $0x0, v0;
	v1, _, _ =	vpop (xrf0)  }
0x1d: {  	(xrf0) =	vadd.scan.msk.s32 $0xffff, v0;
	(v2sf) =	vpush v1, $0xF  }
0x1e: {  	s20 =	spop (v2sf)  }
0x1f: {  	s21 =	sshll.u32 s20, $0xB;
	s20 =	sshll.u32 s20, $0x7  }
0x20: {  	s21 =	sand.u32 $0xFFFFC000, s21;
	s20 =	sand.u32 $0x380, s20  }
0x21: {  	s20 =	sor.u32 s20, s21  }
0x22: {  	s20 =	sadd.s32 $0x220000, s20  }
0x23: {  	v0, _, _ =	vpop (xrf0);
	s20 =	sshrl.u32 s20, $0x3  }
0x24: {  	(v2sf) =	vpush v0, $0xF;
	s20 =	sadd.s32 s1, s20  }
0x25: {  	[tilespmem:s13], [sflag:$0x1] =	stream.strided.gather [hbm4b:s20+s11], $0x800, s12, s11, $0x38;
	[tilespmem:$0x2480] =	vst v63  }
0x26: {  	s25 =	spop (v2sf)  }
0x27: {  	s26 =	sshll.u32 s25, $0xB;
	s20 =	sshll.u32 s25, $0x7  }
0x28: {  	s21 =	sand.u32 $0xFFFFC000, s26;
	s20 =	sand.u32 $0x380, s20  }
0x29: {  	s20 =	sor.u32 s20, s21  }
0x2a: {  	s20 =	sadd.s32 $0x220000, s20  }
0x2b: {  	s20 =	sshrl.u32 s20, $0x3  }
0x2c: {  	s28 =	spop (v2sf);
	s20 =	sadd.s32 s1, s20  }
0x2d: {  	[tilespmem:s14], [sflag:$0x2] =	stream.strided.gather [hbm4b:s20+s11], $0x800, s12, s11, $0x38;
	[tilespmem:$0x2480] =	vst v63  }
0x2e: {  	s29 =	sshll.u32 s28, $0xB;
	s21 =	sshll.u32 s28, $0x7  }
0x2f: {  	s20 =	sand.u32 $0xFFFFC000, s29;
	s21 =	sand.u32 $0x380, s21  }
0x30: {  	s20 =	sor.u32 s21, s20  }
0x31: {  	s20 =	sadd.s32 $0x220000, s20  }
0x32: {  	s20 =	sshrl.u32 s20, $0x3  }
0x33: {  	s20 =	sadd.s32 s1, s20;
	s30 =	spop (v2sf)  }
0x34: {  	[tilespmem:s15], [sflag:$0x3] =	stream.strided.gather [hbm4b:s20+s11], $0x800, s12, s11, $0x38;
	[tilespmem:$0x2480] =	vst v63  }
0x35: {  	s31 =	sshll.u32 s30, $0xB;
	s20 =	sshll.u32 s30, $0x7  }
0x36: {  	s21 =	sand.u32 $0xFFFFC000, s31;
	s20 =	sand.u32 $0x380, s20  }
0x37: {  	s20 =	sor.u32 s20, s21  }
0x38: {  	s20 =	sadd.s32 $0x220000, s20  }
0x39: {  	s20 =	sshrl.u32 s20, $0x3  }
0x3a: {  	s20 =	sadd.s32 s1, s20  }
0x3b: {  	[tilespmem:s16], [sflag:$0x4] =	stream.strided.gather [hbm4b:s20+s11], $0x800, s12, s11, $0x38;
	[tilespmem:$0x2480] =	vst v63  }
0x3c: {  	s22 =	simm.s32 $0x0;
	v1 =	vimm.f32 $0.0e+00;
	v0 =	vimm.f32 $0.0e+00;
	s20 =	simm.s32 $0x240  }
.LBB2_2:
0x3d: {  	v17 =	vmov s20  }
0x3e: {  	s21 =	sadd.s32 $0x1, s22  }
0x3f: {  	_ =	swait.ge [sflag:s21], $0x800  }
0x40: {  	[sflag:s21] =	ssyncset.done $0x0  }
0x41: {  	s23 =	simm.s32 $0x0;
	[sflag:s21] =	ssyncadd.s32 $0xFFFFF800  }
0x42: {  	v3 =	vld.idx.msk [tilespmem:v17+s23+$0xFFFFFFC0 ss:$0x1], $0xffff  }
0x43: {  	v4 =	vld.idx.msk [tilespmem:v17+s23+$0xFFFFFFD0 ss:$0x1], $0xffff  }
0x44: {  	v5 =	vld.idx.msk [tilespmem:v17+s23+$0xFFFFFFE0 ss:$0x1], $0xffff  }
0x45: {  	v6 =	vld.idx.msk [tilespmem:v17+s23+$0xFFFFFFF0 ss:$0x1], $0xffff  }
0x46: {  	v7 =	vld.idx.msk [tilespmem:v17+s23+$0x0 ss:$0x1], $0xffff  }
0x47: {  	v8 =	vld.idx.msk [tilespmem:v17+s23+$0x10 ss:$0x1], $0xffff  }
0x48: {  	v9 =	vld.idx.msk [tilespmem:v17+s23+$0x20 ss:$0x1], $0xffff  }
0x49: {  	v10 =	vld.idx.msk [tilespmem:v17+s23+$0x30 ss:$0x1], $0xffff;
	_ =	sdelay $0x1  }
0x4a: {  	s23 =	simm.s32 $0x80;
	v12 =	vadd.f32 v4, v3  }
0x4b: {  	v2 =	vld.idx.msk [tilespmem:v17+s23+$0xFFFFFFC0 ss:$0x1], $0xffff;
	v15 =	vadd.f32 v6, v5;
	v3 =	vmul.f32 v3, v3;
	v11 =	vmul.f32 v4, v4  }
0x4c: {  	v4 =	vld.idx.msk [tilespmem:v17+s23+$0xFFFFFFD0 ss:$0x1], $0xffff;
	v13 =	vmul.f32 v5, v5;
	v14 =	vmul.f32 v6, v6;
	v18 =	vadd.f32 v8, v7  }
0x4d: {  	v5 =	vld.idx.msk [tilespmem:v17+s23+$0xFFFFFFE0 ss:$0x1], $0xffff;
	v16 =	vmul.f32 v7, v7;
	v8 =	vmul.f32 v8, v8;
	v19 =	vadd.f32 v10, v9  }
0x4e: {  	v6 =	vld.idx.msk [tilespmem:v17+s23+$0xFFFFFFF0 ss:$0x1], $0xffff;
	v20 =	vmul.f32 v9, v9;
	v10 =	vmul.f32 v10, v10;
	v11 =	vadd.f32 v11, v3  }
0x4f: {  	v7 =	vld.idx.msk [tilespmem:v17+s23+$0x0 ss:$0x1], $0xffff;
	v13 =	vadd.f32 v14, v13;
	v14 =	vadd.f32 v8, v16  }
0x50: {  	v9 =	vld.idx.msk [tilespmem:v17+s23+$0x10 ss:$0x1], $0xffff;
	v16 =	vadd.f32 v10, v20;
	v12 =	vadd.f32 v15, v12  }
0x51: {  	s24 =	simm.s32 $0x400;
	v8 =	vld.idx.msk [tilespmem:v17+s23+$0x20 ss:$0x1], $0xffff;
	v15 =	vadd.f32 v19, v18;
	v10 =	vimm.f32 $0.0e+00;
	v3 =	vimm.f32 $0.0e+00  }
.LBB2_3:
0x52: {  	p0 =	sne.s32 s24, $0x1E00;
	v18 =	vld.idx.msk [tilespmem:v17+s23+$0x30 ss:$0x1], $0xffff;
	v11 =	vadd.f32 v13, v11;
	v13 =	vadd.f32 v16, v14  }
0x53: {  	v19 =	vadd.f32 v4, v2;
	v12 =	vadd.f32 v15, v12  }
0x54: {  	s23 =	sshra.s32 s24, $0x2;
	v15 =	vadd.f32 v6, v5;
	v11 =	vadd.f32 v13, v11  }
0x55: {  	v14 =	vmul.f32 v4, v4;
	v13 =	vmul.f32 v2, v2;
	v2 =	vld.idx.msk [tilespmem:v17+s23+$0xFFFFFFC0 ss:$0x1], $0xffff;
	v10 =	vadd.f32 v12, v10  }
0x56: {  	v16 =	vmul.f32 v6, v6;
	v12 =	vmul.f32 v5, v5;
	v4 =	vld.idx.msk [tilespmem:v17+s23+$0xFFFFFFD0 ss:$0x1], $0xffff;
	v3 =	vadd.f32 v11, v3  }
.Ltmp0:
0x57: {  	v21 =	vmul.f32 v7, v7;
	v20 =	vadd.f32 v9, v7;
	v22 =	vmul.f32 v9, v9;
	v5 =	vld.idx.msk [tilespmem:v17+s23+$0xFFFFFFE0 ss:$0x1], $0xffff;
	(pc) =	sbr.rel @p0 .LBB2_3-.Ltmp0, $4  }
0x58: {  	v23 =	vadd.f32 v18, v8;
	v8 =	vmul.f32 v8, v8;
	v18 =	vmul.f32 v18, v18;
	v6 =	vld.idx.msk [tilespmem:v17+s23+$0xFFFFFFF0 ss:$0x1], $0xffff  }
0x59: {  	v11 =	vadd.f32 v14, v13;
	v13 =	vadd.f32 v16, v12;
	v7 =	vld.idx.msk [tilespmem:v17+s23+$0x0 ss:$0x1], $0xffff  }
0x5a: {  	v14 =	vadd.f32 v22, v21;
	v16 =	vadd.f32 v18, v8;
	v9 =	vld.idx.msk [tilespmem:v17+s23+$0x10 ss:$0x1], $0xffff  }
0x5b: {  	s24 =	sadd.s32 $0x200, s24;
	v12 =	vadd.f32 v15, v19;
	v15 =	vadd.f32 v23, v20;
	v8 =	vld.idx.msk [tilespmem:v17+s23+$0x20 ss:$0x1], $0xffff  }
0x5c: {  	v18 =	vld [tilespmem:$0x90]  }
0x5d: {  	v19 =	vld [tilespmem:$0x100];
	_ =	sdelay $0x3  }
0x5e: {  	s24 =	sshll.u32 s22, $0xB;
	v20 =	vand.u32 $0xFFFFFF80, v18  }
0x5f: {  	v18 =	vand.u32 $0x7F, v18;
	v21 =	vand.u32 $0xFFFFFF80, v19;
	v20 =	vadd.s32 s24, v20  }
0x60: {  	v19 =	vand.u32 $0x7F, v19;
	v44 =	vadd.s32 s24, v21;
	v18 =	vor.u32 v18, v20  }
0x61: {  	v19 =	vor.u32 v19, v44;
	_ =	sdelay $0x2  }
0x62: {  	v45 =	vld [tilespmem:$0x170]  }
0x63: {  	v18 =	vld.idx.msk [tilespmem:v18+s13+$0x0], $0xffff  }
0x64: {  	v19 =	vld.idx.msk [tilespmem:v19+s13+$0x0], $0xffff;
	_ =	sdelay $0x2  }
0x65: {  	v46 =	vsub.f32 $1.000000000e+00, v45;
	_ =	sdelay $0x1  }
0x66: {  	v18 =	vmul.f32 v46, v18;
	v19 =	vmul.f32 v45, v19;
	_ =	sdelay $0x1  }
0x67: {  	s25 =	sshll.u32 s22, $0x7;
	v18 =	vadd.f32 v18, v19  }
0x68: {  	s29 =	sand.u32 $0x3FFFFF80, s25  }
0x69: {  	v17 =	vld.idx.msk [tilespmem:v17+s23+$0x30 ss:$0x1], $0xffff;
	[tilespmem:s29+$0x2200] =	vst v18  }
0x6a: {  	v18 =	vld [tilespmem:$0xA0]  }
0x6b: {  	v47 =	vld [tilespmem:$0x110];
	_ =	sdelay $0x3  }
0x6c: {  	v48 =	vand.u32 $0xFFFFFF80, v18  }
0x6d: {  	v18 =	vand.u32 $0x7F, v18;
	v49 =	vand.u32 $0xFFFFFF80, v47;
	v20 =	vadd.s32 s24, v48  }
0x6e: {  	v19 =	vand.u32 $0x7F, v47;
	v50 =	vadd.s32 s24, v49;
	v18 =	vor.u32 v18, v20  }
0x6f: {  	v19 =	vor.u32 v19, v50;
	_ =	sdelay $0x2  }
0x70: {  	v51 =	vld [tilespmem:$0x180]  }
0x71: {  	v18 =	vld.idx.msk [tilespmem:v18+s13+$0x0], $0xffff  }
0x72: {  	v19 =	vld.idx.msk [tilespmem:v19+s13+$0x0], $0xffff;
	_ =	sdelay $0x2  }
0x73: {  	v52 =	vsub.f32 $1.000000000e+00, v51;
	_ =	sdelay $0x1  }
0x74: {  	v18 =	vmul.f32 v52, v18;
	v19 =	vmul.f32 v51, v19;
	_ =	sdelay $0x1  }
0x75: {  	v18 =	vadd.f32 v18, v19;
	_ =	sdelay $0x1  }
0x76: {  	[tilespmem:s29+$0x2210] =	vst v18  }
0x77: {  	v18 =	vld [tilespmem:$0xB0]  }
0x78: {  	v53 =	vld [tilespmem:$0x120];
	_ =	sdelay $0x3  }
0x79: {  	v54 =	vand.u32 $0xFFFFFF80, v18  }
0x7a: {  	v18 =	vand.u32 $0x7F, v18;
	v55 =	vand.u32 $0xFFFFFF80, v53;
	v20 =	vadd.s32 s24, v54  }
0x7b: {  	v19 =	vand.u32 $0x7F, v53;
	v56 =	vadd.s32 s24, v55;
	v18 =	vor.u32 v18, v20  }
0x7c: {  	v19 =	vor.u32 v19, v56;
	_ =	sdelay $0x2  }
0x7d: {  	v57 =	vld [tilespmem:$0x190]  }
0x7e: {  	v18 =	vld.idx.msk [tilespmem:v18+s13+$0x0], $0xffff  }
0x7f: {  	v19 =	vld.idx.msk [tilespmem:v19+s13+$0x0], $0xffff;
	_ =	sdelay $0x2  }
0x80: {  	v58 =	vsub.f32 $1.000000000e+00, v57;
	_ =	sdelay $0x1  }
0x81: {  	v18 =	vmul.f32 v58, v18;
	v19 =	vmul.f32 v57, v19;
	_ =	sdelay $0x1  }
0x82: {  	v18 =	vadd.f32 v18, v19;
	_ =	sdelay $0x1  }
0x83: {  	[tilespmem:s29+$0x2220] =	vst v18  }
0x84: {  	v18 =	vld [tilespmem:$0xC0]  }
0x85: {  	v59 =	vld [tilespmem:$0x130];
	_ =	sdelay $0x3  }
0x86: {  	v60 =	vand.u32 $0xFFFFFF80, v18  }
0x87: {  	v18 =	vand.u32 $0x7F, v18;
	v61 =	vand.u32 $0xFFFFFF80, v59;
	v20 =	vadd.s32 s24, v60  }
0x88: {  	v19 =	vand.u32 $0x7F, v59;
	v62 =	vadd.s32 s24, v61;
	v18 =	vor.u32 v18, v20  }
0x89: {  	v19 =	vor.u32 v19, v62;
	_ =	sdelay $0x2  }
0x8a: {  	v63 =	vld [tilespmem:$0x1A0]  }
0x8b: {  	v18 =	vld.idx.msk [tilespmem:v18+s13+$0x0], $0xffff  }
0x8c: {  	v19 =	vld.idx.msk [tilespmem:v19+s13+$0x0], $0xffff;
	_ =	sdelay $0x2  }
0x8d: {  	v24 =	vsub.f32 $1.000000000e+00, v63;
	_ =	sdelay $0x1  }
0x8e: {  	v18 =	vmul.f32 v24, v18;
	v19 =	vmul.f32 v63, v19;
	_ =	sdelay $0x1  }
0x8f: {  	v18 =	vadd.f32 v18, v19;
	_ =	sdelay $0x1  }
0x90: {  	[tilespmem:s29+$0x2230] =	vst v18  }
0x91: {  	v18 =	vld [tilespmem:$0xD0]  }
0x92: {  	v25 =	vld [tilespmem:$0x140];
	_ =	sdelay $0x3  }
0x93: {  	v26 =	vand.u32 $0xFFFFFF80, v18  }
0x94: {  	v18 =	vand.u32 $0x7F, v18;
	v27 =	vand.u32 $0xFFFFFF80, v25;
	v20 =	vadd.s32 s24, v26  }
0x95: {  	v19 =	vand.u32 $0x7F, v25;
	v28 =	vadd.s32 s24, v27;
	v18 =	vor.u32 v18, v20  }
0x96: {  	v19 =	vor.u32 v19, v28;
	_ =	sdelay $0x2  }
0x97: {  	v29 =	vld [tilespmem:$0x1B0]  }
0x98: {  	v18 =	vld.idx.msk [tilespmem:v18+s13+$0x0], $0xffff  }
0x99: {  	v19 =	vld.idx.msk [tilespmem:v19+s13+$0x0], $0xffff;
	_ =	sdelay $0x2  }
0x9a: {  	v30 =	vsub.f32 $1.000000000e+00, v29;
	_ =	sdelay $0x1  }
0x9b: {  	v18 =	vmul.f32 v30, v18;
	v19 =	vmul.f32 v29, v19;
	_ =	sdelay $0x1  }
0x9c: {  	v18 =	vadd.f32 v18, v19;
	_ =	sdelay $0x1  }
0x9d: {  	[tilespmem:s29+$0x2240] =	vst v18  }
0x9e: {  	v18 =	vld [tilespmem:$0xE0]  }
0x9f: {  	v31 =	vld [tilespmem:$0x150];
	_ =	sdelay $0x3  }
0xa0: {  	v32 =	vand.u32 $0xFFFFFF80, v18  }
0xa1: {  	v18 =	vand.u32 $0x7F, v18;
	v33 =	vand.u32 $0xFFFFFF80, v31;
	v20 =	vadd.s32 s24, v32  }
0xa2: {  	v19 =	vand.u32 $0x7F, v31;
	v34 =	vadd.s32 s24, v33;
	v18 =	vor.u32 v18, v20  }
0xa3: {  	v19 =	vor.u32 v19, v34;
	_ =	sdelay $0x2  }
0xa4: {  	v35 =	vld [tilespmem:$0x1C0]  }
0xa5: {  	v18 =	vld.idx.msk [tilespmem:v18+s13+$0x0], $0xffff  }
0xa6: {  	v19 =	vld.idx.msk [tilespmem:v19+s13+$0x0], $0xffff;
	_ =	sdelay $0x2  }
0xa7: {  	v36 =	vsub.f32 $1.000000000e+00, v35;
	_ =	sdelay $0x1  }
0xa8: {  	v18 =	vmul.f32 v36, v18;
	v19 =	vmul.f32 v35, v19;
	_ =	sdelay $0x1  }
0xa9: {  	v18 =	vadd.f32 v18, v19;
	_ =	sdelay $0x1  }
0xaa: {  	[tilespmem:s29+$0x2250] =	vst v18  }
0xab: {  	v18 =	vld [tilespmem:$0xF0]  }
0xac: {  	v37 =	vld [tilespmem:$0x160];
	_ =	sdelay $0x1  }
0xad: {  	v11 =	vadd.f32 v13, v11;
	v38 =	vadd.f32 v16, v14  }
0xae: {  	v43 =	vadd.f32 v4, v2;
	v2 =	vmul.f32 v2, v2  }
0xaf: {  	v12 =	vadd.f32 v15, v12;
	v11 =	vadd.f32 v38, v11;
	v39 =	vand.u32 $0xFFFFFF80, v18  }
0xb0: {  	v40 =	vand.u32 $0x7F, v18;
	v41 =	vand.u32 $0xFFFFFF80, v37;
	v14 =	vadd.s32 s24, v39  }
0xb1: {  	v42 =	vand.u32 $0x7F, v37;
	v18 =	vadd.s32 s24, v41;
	v14 =	vor.u32 v40, v14  }
0xb2: {  	v10 =	vadd.f32 v12, v10;
	v45 =	vmul.f32 v4, v4;
	v16 =	vor.u32 v42, v18  }
0xb3: {  	v44 =	vadd.f32 v6, v5;
	v46 =	vmul.f32 v5, v5;
	v47 =	vmul.f32 v6, v6  }
0xb4: {  	v2 =	vadd.f32 v45, v2;
	v50 =	vmul.f32 v7, v7;
	v51 =	vmul.f32 v9, v9  }
0xb5: {  	v53 =	vadd.f32 v17, v8;
	v17 =	vmul.f32 v17, v17;
	v54 =	vmul.f32 v8, v8;
	v49 =	vld [tilespmem:$0x1D0]  }
0xb6: {  	v48 =	vadd.f32 v9, v7;
	v5 =	vadd.f32 v47, v46;
	v52 =	vld.idx.msk [tilespmem:v14+s13+$0x0], $0xffff  }
0xb7: {  	v55 =	vadd.f32 v51, v50;
	v56 =	vadd.f32 v17, v54;
	v16 =	vld.idx.msk [tilespmem:v16+s13+$0x0], $0xffff  }
0xb8: {  	v2 =	vadd.f32 v5, v2;
	v57 =	vadd.f32 v44, v43  }
0xb9: {  	v58 =	vadd.f32 v53, v48;
	v60 =	vadd.f32 v56, v55  }
0xba: {  	v3 =	vadd.f32 v11, v3;
	v59 =	vsub.f32 $1.000000000e+00, v49  }
0xbb: {  	s30 =	sadd.s32 s4, s22;
	p0 =	slt.u32 s22, s7;
	s22 =	simm.f32 $1.000000000e+00;
	v62 =	vadd.f32 v58, v57;
	v2 =	vadd.f32 v60, v2  }
0xbc: {  	s22 =	simm.s32 @!p0 $0x0;
	p0 =	sne.s32 s21, $0x4;
	v4 =	vmul.f32 v59, v52;
	v61 =	vmul.f32 v49, v16  }
.Ltmp1:
0xbd: {  	v2 =	vadd.f32 v2, v3;
	v63 =	vadd.f32 v62, v10;
	(pc) =	sbr.rel @p0 .LBB2_2-.Ltmp1, $4  }
0xbe: {  	v4 =	vadd.f32 v4, v61  }
0xbf: {  	s20 =	sadd.s32 $0x800, s20;
	v2 =	vmul.f32 s22, v2;
	v3 =	vmul.f32 s22, v63;
	s24 =	sshll.u32 s30, $0x4  }
0xc0: {  	s25 =	sadd.s32 $0x2200, s29;
	s22 =	smov.u32 s21;
	s31 =	sadd.s32 s5, s24;
	[tilespmem:s29+$0x2260] =	vst v4  }
0xc1: {  	v0 =	vadd.f32 v2, v0;
	v1 =	vadd.f32 v3, v1;
	[hbm4b:s31+s6] =	stream.linear.scatter [tilespmem:s25], [sflag:$0x5], $0x70, $0x38;
	[tilespmem:$0x2480] =	vst v63  }
0xc2: {  	_ = 	snop  }
0xc3: {  	[tilespmem:$0x2400] =	vst v1  }
0xc4: {  	[tilespmem:$0x2410] =	vst v0  }
0xc5: {  	[hbm4b:s8+s6] =	stream.linear.scatter [tilespmem:s17], [sflag:$0x6], $0x20, $0x38;
	[tilespmem:$0x2480] =	vst v63  }
0xc6: {  	_ =	swait.ge [sflag:s10], $0x20  }
0xc7: {  	[sflag:s10] =	ssyncset.done $0x0  }
0xc8: {  	[sflag:s10] =	ssyncadd.s32 $0xFFFFFFE0  }
0xc9: {  	_ =	swait.ge [sflag:s18], $0x70  }
0xca: {  	[sflag:s18] =	ssyncset.done $0x0  }
0xcb: {  	[sflag:s18] =	ssyncadd.s32 $0xFFFFFF90  }
0xcc: {  	_ =	swait.ge [sflag:s18], $0x70  }
0xcd: {  	[sflag:s18] =	ssyncset.done $0x0  }
0xce: {  	s19 =	sadd.s32 $0x1, s19;
	[sflag:s18] =	ssyncadd.s32 $0xFFFFFF90  }
0xcf: {  	p0 =	sne.s32 s19, s9;
	_ =	swait.ge [sflag:s18], $0x70  }
.Ltmp2:
0xd0: {  	[sflag:s18] =	ssyncset.done $0x0;
	(pc) =	sbr.rel @p0 .LBB2_1-.Ltmp2, $4  }
0xd1: {  	[sflag:s18] =	ssyncadd.s32 $0xFFFFFF90  }
0xd2: {  	_ =	swait.ge [sflag:s18], $0x70  }
0xd3: {  	[sflag:s18] =	ssyncset.done $0x0  }
0xd4: {  	[sflag:s18] =	ssyncadd.s32 $0xFFFFFF90  }
0xd5: {  	_ =	sfence.sel $0x180000  }
0xd6: {  	[bflag:$0x0] =	sbarrier.arrive $0xFFFF  }
0xd7: {  	p0 =	sne.s32 s0, $0x0;
	_ =	strace $0x90000047  }
0xd8: {  	s0 =	sadd.s32 @!p0 $0x100000, s2;
	[bflag:$0x2] =	sbarrier.arrive $0xFFFF  }
0xd9: {  	[sflag:s0] =	ssyncadd.tile.s32 @!p0 $0x1;
	_ =	shalt  }
.Lfunc_end2:
_tile_overlayer_lowered:
.L_overlay_start_2:
0xda: {  	(tag) =	ssettag $0x2  }
0xdb: {  	s0 =	rddreg [dreg:$0x0];
	s2 =	stileid.u32  }
0xdc: {  	s1 =	rddreg [dreg:$0x1];
	p0 =	sne.s32 s2, $0x0  }
0xdd: {  	s3 =	rddreg [dreg:$0x2];
	[bflag:$0x3] =	sbarrier.arrive $0xFFFF;
	s2 =	simm.s32 @!p0 $0x1C06  }
0xde: {  	[timem:s3], [sflag:s2] =	dma.local @!p0 [hbm:s0], s1  }
0xdf: {  	s0 =	simm.s32 @!p0 $0x6  }
0xe0: {  	_ =	swait.ge @!p0 [sflag:s0], s1  }
0xe1: {  	s1 =	ssub.s32 @!p0 $0x0, s1;
	[sflag:s0] =	ssyncset.done @!p0 $0x0  }
0xe2: {  	[sflag:s0] =	ssyncadd.s32 @!p0 s1  }
0xe3: {  	[bflag:$0x3] =	sbarrier.arrive $0xFFFF  }
0xe4: {  	_ =	shalt  }

</sc_bundles>
